<compile_context>
chip_gen: v7x
topology: tpu7x:2x2x1
jax: 0.10.2.dev20260603
libtpu: 0.0.44.dev20260713+nightly
codegen_flags: <defaults>
</compile_context>

<pallas_src>
import functools

import jax
import jax.numpy as jnp
from jax import lax
from jax.experimental import pallas as pl
from jax.experimental.pallas import tpu as pltpu
from jax.experimental.pallas import tpu_sc as plsc

D = 64
NC = 2
NS = 16
NW = NC * NS
C = 512
SLAB = C * D
RS = D + 1


def _make(BATCH, SEQ):
    assert SEQ == C
    q_per_w = BATCH // NW
    mesh = plsc.VectorSubcoreMesh(core_axis_name="c", subcore_axis_name="s")

    @functools.partial(
        pl.kernel,
        mesh=mesh,
        out_type=jax.ShapeDtypeStruct((BATCH, SLAB), jnp.float32),
        compiler_params=pltpu.CompilerParams(
            use_tc_tiling_on_sc=False, needs_layout_passes=False),
        scratch_types=[
            pltpu.VMEM((C,), jnp.int32),
            pltpu.VMEM((C, D), jnp.float32),
            pltpu.VMEM((C * RS,), jnp.float32),
            pltpu.VMEM((SLAB,), jnp.float32),
            pltpu.SemaphoreType.DMA,
            pltpu.SemaphoreType.DMA,
        ],
    )
    def k(xf_hbm, table_hbm, out_hbm, iv, rows, r65, slab, sg, sw):
        wid = lax.axis_index("s") * NC + lax.axis_index("c")
        base = wid * q_per_w
        iota = lax.iota(jnp.int32, 16)
        iota65 = iota * RS

        def stage(q):
            pltpu.sync_copy(xf_hbm.at[pl.ds((base + q) * C, C)], iv)

        def start_gather():
            pltpu.async_copy(table_hbm.at[iv], rows, sg)

        def wait_gather():
            pltpu.make_async_copy(table_hbm.at[iv], rows, sg).wait()

        def start_write(q):
            pltpu.async_copy(slab, out_hbm.at[base + q], sw)

        def wait_write():
            pltpu.make_async_copy(slab, out_hbm.at[base], sw).wait()

        def restride():
            @plsc.parallel_loop(0, C, unroll=8)
            def rbody(tok):
                o = tok * RS
                for kk in range(4):
                    r65[pl.ds(o + 16 * kk, 16)] = rows[tok, pl.ds(16 * kk, 16)]

        def transpose():
            @plsc.parallel_loop(0, 4 * D, unroll=8)
            def dbody(t):
                ts = t // D
                d = t % D
                doff = ts * 1024 + (d // 8) * 4096 + (d % 8) * 128
                rbase = ts * 128 * RS + d
                for cb in range(8):
                    idx = iota65 + (rbase + cb * 16 * RS)
                    v = plsc.load_gather(r65, [idx])
                    slab[pl.ds(doff + cb * 16, 16)] = v

        stage(0)
        start_gather()
        wait_gather()
        restride()
        stage(1)
        start_gather()
        transpose()
        start_write(0)

        def body(i, carry):
            wait_gather()
            restride()
            stage(jnp.minimum(i + 1, q_per_w - 1))
            start_gather()
            wait_write()
            transpose()
            start_write(i)
            return carry

        lax.fori_loop(1, q_per_w, body, 0)

        wait_gather()
        wait_write()

    return k


def kernel(x, table):
    b, s = x.shape
    xf = x.reshape(b * s).astype(jnp.int32)
    out2 = _make(b, s)(xf, table)
    return (
        out2.reshape(b, 8, 4, 8, 128)
        .transpose(0, 2, 4, 1, 3)
        .reshape(b, s, D)
    )

# --- scband reference (transcript-rebuilt; emitter-appended) ---
"""Pipeline reference for scband-embeddings-26302379720903 (READ-ONLY COPY).

The authoritative reference and input builder live on the scoring server;
editing this copy changes nothing except your own understanding.
"""

import jax, jax.numpy as jnp
import numpy as np

VOCAB = 1000000
EMBED_DIM = 64
BATCH = 4096
SEQ = 512

def setup_inputs(seed: int = 0) -> dict:
    key = jax.random.key(seed)
    k1, k2 = jax.random.split(key)
    x = jax.random.randint(k1, (BATCH, SEQ), 0, VOCAB, dtype=jnp.int64 if jax.config.jax_enable_x64 else jnp.int32)
    table = jax.random.normal(k2, (VOCAB, EMBED_DIM), dtype=jnp.float32) * 0.02
    return {"x": x, "table": table}

def reference(x, table):
    # keras.layers.Embedding forward: pure table gather by token index.
    # (mask_zero=True only produces a mask consumed by downstream layers;
    #  the lookup output itself is identical.)
    return jnp.take(table, x, axis=0)

if __name__ == "__main__":
    import jax
    _d = setup_inputs()
    print(jax.jit(kernel)(*tuple(_d.values())))

</pallas_src>

<mosaic_0001>
#map = affine_map<(d0, d1) -> (0)>
#map1 = affine_map<(d0, d1) -> (0, 0)>
module attributes {stable_mosaic.version = 14 : i64} {
  func.func @k(%arg0: i32, %arg1: i32, %arg2: memref<2097152xi32, #tpu.memory_space<hbm>>, %arg3: memref<1000000x64xf32, #tpu.memory_space<hbm>>, %arg4: memref<4096x32768xf32, #tpu.memory_space<hbm>>, %arg5: memref<512xi32, #tpu.memory_space<vmem>>, %arg6: memref<512x64xf32, #tpu.memory_space<vmem>>, %arg7: memref<33280xf32, #tpu.memory_space<vmem>>, %arg8: memref<32768xf32, #tpu.memory_space<vmem>>, %arg9: memref<!tpu.dma_semaphore, #tpu.memory_space<semaphore_mem>>, %arg10: memref<!tpu.dma_semaphore, #tpu.memory_space<semaphore_mem>>) attributes {dimension_semantics = [#tpu.dimension_semantics<core_parallel>, #tpu.dimension_semantics<subcore_parallel>], iteration_bounds = array<i64: 2, 16>, scalar_prefetch = 0 : i64, scratch_operands = 6 : i64, tpu.core_type = #tpu.core_type<sc_vector_subcore>, window_params = [{transform_indices = #map}, {transform_indices = #map1}, {transform_indices = #map1}]} {
    %mul3A = arith.constant 2 : i32
    %mul3A_0 = arith.muli %arg1, %mul3A : i32
    %add3A = arith.addi %mul3A_0, %arg0 : i32
    %mul3A_1 = arith.constant 128 : i32
    %mul3A_2 = arith.muli %add3A, %mul3A_1 : i32
    %iota3A = tpu.iota {dimensions = array<i32: 0>} : vector<16xi32>
    %mul3A_3 = arith.constant 65 : i32
    %mul3A_4 = vector.broadcast %mul3A_3 : i32 to vector<16xi32>
    %mul3A_5 = arith.muli %iota3A, %mul3A_4 : vector<16xi32>
    %add3A_6 = arith.constant 0 : i32
    %add3A_7 = arith.addi %mul3A_2, %add3A_6 : i32
    %mul3A_8 = arith.constant 512 : i32
    %mul3A_9 = arith.muli %add3A_7, %mul3A_8 : i32
    "tpu.region"() ({
      %run_scoped3A = tpu.sem_alloc : memref<!tpu.dma_semaphore, #tpu.memory_space<semaphore_mem>>
      %dma_start3A_48 = tpu.memref_slice %arg2[%mul3A_9] : memref<2097152xi32, #tpu.memory_space<hbm>> -> memref<512xi32, #tpu.memory_space<hbm>>
      %dma_start3A_49 = tpu.memref_slice %arg2[%mul3A_9] : memref<2097152xi32, #tpu.memory_space<hbm>> -> memref<512xi32, #tpu.memory_space<hbm>>
      tpu.enqueue_dma source(%dma_start3A_49 : memref<512xi32, #tpu.memory_space<hbm>>) target(%arg5 : memref<512xi32, #tpu.memory_space<vmem>>) target_semaphore(%run_scoped3A : memref<!tpu.dma_semaphore, #tpu.memory_space<semaphore_mem>>)
      %dma_wait3A_50 = tpu.memref_slice %arg2[%mul3A_9] : memref<2097152xi32, #tpu.memory_space<hbm>> -> memref<512xi32, #tpu.memory_space<hbm>>
      %dma_wait3A_51 = tpu.memref_slice %arg2[%mul3A_9] : memref<2097152xi32, #tpu.memory_space<hbm>> -> memref<512xi32, #tpu.memory_space<hbm>>
      tpu.wait_dma2 semaphore(%run_scoped3A : memref<!tpu.dma_semaphore, #tpu.memory_space<semaphore_mem>>) src(%dma_wait3A_51 : memref<512xi32, #tpu.memory_space<hbm>>) dst(%arg5 : memref<512xi32, #tpu.memory_space<vmem>>)
      tpu.yield
    }) : () -> ()
    %dma_start3A = arith.constant 0 : i32
    %dma_start3A_10 = arith.constant 0 : i32
    %dma_start3A_11 = tpu.memref_slice %arg3[%dma_start3A, %dma_start3A_10] : memref<1000000x64xf32, #tpu.memory_space<hbm>> -> memref<1000000x64xf32, #tpu.memory_space<hbm>>
    tpu.enqueue_indirect_dma source(%dma_start3A_11 : memref<1000000x64xf32, #tpu.memory_space<hbm>>) target(%arg6 : memref<512x64xf32, #tpu.memory_space<vmem>>) offsets(%arg5 : memref<512xi32, #tpu.memory_space<vmem>>) semaphore(%arg9 : memref<!tpu.dma_semaphore, #tpu.memory_space<semaphore_mem>>)
    %dma_wait3A = arith.constant 0 : i32
    %dma_wait3A_12 = arith.constant 0 : i32
    %dma_wait3A_13 = tpu.memref_slice %arg3[%dma_wait3A, %dma_wait3A_12] : memref<1000000x64xf32, #tpu.memory_space<hbm>> -> memref<1000000x64xf32, #tpu.memory_space<hbm>>
    tpu.wait_indirect_dma semaphore(%arg9 : memref<!tpu.dma_semaphore, #tpu.memory_space<semaphore_mem>>) src(%dma_wait3A_13 : memref<1000000x64xf32, #tpu.memory_space<hbm>>) dst(%arg6 : memref<512x64xf32, #tpu.memory_space<vmem>>)
    %parallel_loop3A = arith.constant 0 : i32
    %parallel_loop3A_14 = arith.constant 512 : i32
    %parallel_loop3A_15 = arith.constant 1 : i32
    scf.for %parallel_loop3A_48 = %parallel_loop3A to %parallel_loop3A_14 step %parallel_loop3A_15  : i32 {
      %parallel_loop3A_49 = arith.constant 65 : i32
      %parallel_loop3A_50 = arith.muli %parallel_loop3A_48, %parallel_loop3A_49 : i32
      %parallel_loop3A_51 = arith.index_cast %parallel_loop3A_48 : i32 to index
      %parallel_loop3A_52 = arith.constant 0 : index
      %parallel_loop3A_53 = tpu.vector_load %arg6[%parallel_loop3A_51, %parallel_loop3A_52] {strides = array<i32>} : memref<512x64xf32, #tpu.memory_space<vmem>>, vector<16xf32>,
      %parallel_loop3A_54 = arith.constant 0 : i32
      %parallel_loop3A_55 = arith.addi %parallel_loop3A_50, %parallel_loop3A_54 : i32
      %parallel_loop3A_56 = arith.index_cast %parallel_loop3A_55 : i32 to index
      %parallel_loop3A_57 = tpu.vector_load %arg7[%parallel_loop3A_56] {strides = array<i32>} : memref<33280xf32, #tpu.memory_space<vmem>>, vector<16xf32>,
      tpu.vector_store %arg7[%parallel_loop3A_56], %parallel_loop3A_53 {strides = array<i32>} : memref<33280xf32, #tpu.memory_space<vmem>>, vector<16xf32>,
      %parallel_loop3A_58 = arith.index_cast %parallel_loop3A_48 : i32 to index
      %parallel_loop3A_59 = arith.constant 16 : index
      %parallel_loop3A_60 = tpu.vector_load %arg6[%parallel_loop3A_58, %parallel_loop3A_59] {strides = array<i32>} : memref<512x64xf32, #tpu.memory_space<vmem>>, vector<16xf32>,
      %parallel_loop3A_61 = arith.constant 16 : i32
      %parallel_loop3A_62 = arith.addi %parallel_loop3A_50, %parallel_loop3A_61 : i32
      %parallel_loop3A_63 = arith.index_cast %parallel_loop3A_62 : i32 to index
      %parallel_loop3A_64 = tpu.vector_load %arg7[%parallel_loop3A_63] {strides = array<i32>} : memref<33280xf32, #tpu.memory_space<vmem>>, vector<16xf32>,
      tpu.vector_store %arg7[%parallel_loop3A_63], %parallel_loop3A_60 {strides = array<i32>} : memref<33280xf32, #tpu.memory_space<vmem>>, vector<16xf32>,
      %parallel_loop3A_65 = arith.index_cast %parallel_loop3A_48 : i32 to index
      %parallel_loop3A_66 = arith.constant 32 : index
      %parallel_loop3A_67 = tpu.vector_load %arg6[%parallel_loop3A_65, %parallel_loop3A_66] {strides = array<i32>} : memref<512x64xf32, #tpu.memory_space<vmem>>, vector<16xf32>,
      %parallel_loop3A_68 = arith.constant 32 : i32
      %parallel_loop3A_69 = arith.addi %parallel_loop3A_50, %parallel_loop3A_68 : i32
      %parallel_loop3A_70 = arith.index_cast %parallel_loop3A_69 : i32 to index
      %parallel_loop3A_71 = tpu.vector_load %arg7[%parallel_loop3A_70] {strides = array<i32>} : memref<33280xf32, #tpu.memory_space<vmem>>, vector<16xf32>,
      tpu.vector_store %arg7[%parallel_loop3A_70], %parallel_loop3A_67 {strides = array<i32>} : memref<33280xf32, #tpu.memory_space<vmem>>, vector<16xf32>,
      %parallel_loop3A_72 = arith.index_cast %parallel_loop3A_48 : i32 to index
      %parallel_loop3A_73 = arith.constant 48 : index
      %parallel_loop3A_74 = tpu.vector_load %arg6[%parallel_loop3A_72, %parallel_loop3A_73] {strides = array<i32>} : memref<512x64xf32, #tpu.memory_space<vmem>>, vector<16xf32>,
      %parallel_loop3A_75 = arith.constant 48 : i32
      %parallel_loop3A_76 = arith.addi %parallel_loop3A_50, %parallel_loop3A_75 : i32
      %parallel_loop3A_77 = arith.index_cast %parallel_loop3A_76 : i32 to index
      %parallel_loop3A_78 = tpu.vector_load %arg7[%parallel_loop3A_77] {strides = array<i32>} : memref<33280xf32, #tpu.memory_space<vmem>>, vector<16xf32>,
      tpu.vector_store %arg7[%parallel_loop3A_77], %parallel_loop3A_74 {strides = array<i32>} : memref<33280xf32, #tpu.memory_space<vmem>>, vector<16xf32>,
    } {sc.loop_unroll_factor = 8 : i64, sc.parallel_access}
    %add3A_16 = arith.constant 1 : i32
    %add3A_17 = arith.addi %mul3A_2, %add3A_16 : i32
    %mul3A_18 = arith.constant 512 : i32
    %mul3A_19 = arith.muli %add3A_17, %mul3A_18 : i32
    "tpu.region"() ({
      %run_scoped3A = tpu.sem_alloc : memref<!tpu.dma_semaphore, #tpu.memory_space<semaphore_mem>>
      %dma_start3A_48 = tpu.memref_slice %arg2[%mul3A_19] : memref<2097152xi32, #tpu.memory_space<hbm>> -> memref<512xi32, #tpu.memory_space<hbm>>
      %dma_start3A_49 = tpu.memref_slice %arg2[%mul3A_19] : memref<2097152xi32, #tpu.memory_space<hbm>> -> memref<512xi32, #tpu.memory_space<hbm>>
      tpu.enqueue_dma source(%dma_start3A_49 : memref<512xi32, #tpu.memory_space<hbm>>) target(%arg5 : memref<512xi32, #tpu.memory_space<vmem>>) target_semaphore(%run_scoped3A : memref<!tpu.dma_semaphore, #tpu.memory_space<semaphore_mem>>)
      %dma_wait3A_50 = tpu.memref_slice %arg2[%mul3A_19] : memref<2097152xi32, #tpu.memory_space<hbm>> -> memref<512xi32, #tpu.memory_space<hbm>>
      %dma_wait3A_51 = tpu.memref_slice %arg2[%mul3A_19] : memref<2097152xi32, #tpu.memory_space<hbm>> -> memref<512xi32, #tpu.memory_space<hbm>>
      tpu.wait_dma2 semaphore(%run_scoped3A : memref<!tpu.dma_semaphore, #tpu.memory_space<semaphore_mem>>) src(%dma_wait3A_51 : memref<512xi32, #tpu.memory_space<hbm>>) dst(%arg5 : memref<512xi32, #tpu.memory_space<vmem>>)
      tpu.yield
    }) : () -> ()
    %dma_start3A_20 = arith.constant 0 : i32
    %dma_start3A_21 = arith.constant 0 : i32
    %dma_start3A_22 = tpu.memref_slice %arg3[%dma_start3A_20, %dma_start3A_21] : memref<1000000x64xf32, #tpu.memory_space<hbm>> -> memref<1000000x64xf32, #tpu.memory_space<hbm>>
    tpu.enqueue_indirect_dma source(%dma_start3A_22 : memref<1000000x64xf32, #tpu.memory_space<hbm>>) target(%arg6 : memref<512x64xf32, #tpu.memory_space<vmem>>) offsets(%arg5 : memref<512xi32, #tpu.memory_space<vmem>>) semaphore(%arg9 : memref<!tpu.dma_semaphore, #tpu.memory_space<semaphore_mem>>)
    %parallel_loop3A_23 = arith.constant 0 : i32
    %parallel_loop3A_24 = arith.constant 256 : i32
    %parallel_loop3A_25 = arith.constant 1 : i32
    scf.for %parallel_loop3A_48 = %parallel_loop3A_23 to %parallel_loop3A_24 step %parallel_loop3A_25  : i32 {
      %parallel_loop3A_49 = arith.constant 64 : i32
      %parallel_loop3A_50 = arith.divsi %parallel_loop3A_48, %parallel_loop3A_49 : i32
      %parallel_loop3A_51 = arith.constant 0 : i32
      %parallel_loop3A_52 = arith.cmpi sgt, %parallel_loop3A_48, %parallel_loop3A_51 : i32
      %parallel_loop3A_53 = arith.extui %parallel_loop3A_52 : i1 to i32
      %parallel_loop3A_54 = arith.constant 0 : i32
      %parallel_loop3A_55 = arith.cmpi slt, %parallel_loop3A_48, %parallel_loop3A_54 : i32
      %parallel_loop3A_56 = arith.extui %parallel_loop3A_55 : i1 to i32
      %parallel_loop3A_57 = arith.subi %parallel_loop3A_53, %parallel_loop3A_56 : i32
      %parallel_loop3A_58 = arith.constant 0 : i32
      %parallel_loop3A_59 = arith.cmpi sgt, %parallel_loop3A_49, %parallel_loop3A_58 : i32
      %parallel_loop3A_60 = arith.extui %parallel_loop3A_59 : i1 to i32
      %parallel_loop3A_61 = arith.constant 0 : i32
      %parallel_loop3A_62 = arith.cmpi slt, %parallel_loop3A_49, %parallel_loop3A_61 : i32
      %parallel_loop3A_63 = arith.extui %parallel_loop3A_62 : i1 to i32
      %parallel_loop3A_64 = arith.subi %parallel_loop3A_60, %parallel_loop3A_63 : i32
      %parallel_loop3A_65 = arith.cmpi ne, %parallel_loop3A_57, %parallel_loop3A_64 : i32
      %parallel_loop3A_66 = arith.remsi %parallel_loop3A_48, %parallel_loop3A_49 : i32
      %parallel_loop3A_67 = arith.constant 0 : i32
      %parallel_loop3A_68 = arith.cmpi ne, %parallel_loop3A_66, %parallel_loop3A_67 : i32
      %parallel_loop3A_69 = arith.andi %parallel_loop3A_65, %parallel_loop3A_68 : i1
      %parallel_loop3A_70 = arith.constant 1 : i32
      %parallel_loop3A_71 = arith.subi %parallel_loop3A_50, %parallel_loop3A_70 : i32
      %parallel_loop3A_72 = arith.select %parallel_loop3A_69, %parallel_loop3A_71, %parallel_loop3A_50 : i32
      %parallel_loop3A_73 = arith.constant 64 : i32
      %parallel_loop3A_74 = arith.constant 0 : i32
      %parallel_loop3A_75 = arith.cmpi eq, %parallel_loop3A_73, %parallel_loop3A_74 : i32
      %parallel_loop3A_76 = arith.constant 1 : i32
      %parallel_loop3A_77 = arith.select %parallel_loop3A_75, %parallel_loop3A_76, %parallel_loop3A_73 : i32
      %parallel_loop3A_78 = arith.remsi %parallel_loop3A_48, %parallel_loop3A_77 : i32
      %parallel_loop3A_79 = arith.constant 0 : i32
      %parallel_loop3A_80 = arith.cmpi ne, %parallel_loop3A_78, %parallel_loop3A_79 : i32
      %parallel_loop3A_81 = arith.constant 0 : i32
      %parallel_loop3A_82 = arith.cmpi slt, %parallel_loop3A_78, %parallel_loop3A_81 : i32
      %parallel_loop3A_83 = arith.constant 0 : i32
      %parallel_loop3A_84 = arith.cmpi slt, %parallel_loop3A_77, %parallel_loop3A_83 : i32
      %parallel_loop3A_85 = arith.xori %parallel_loop3A_82, %parallel_loop3A_84 : i1
      %parallel_loop3A_86 = arith.andi %parallel_loop3A_85, %parallel_loop3A_80 : i1
      %parallel_loop3A_87 = arith.addi %parallel_loop3A_78, %parallel_loop3A_77 : i32
      %parallel_loop3A_88 = arith.select %parallel_loop3A_86, %parallel_loop3A_87, %parallel_loop3A_78 : i32
      %parallel_loop3A_89 = arith.constant 1024 : i32
      %parallel_loop3A_90 = arith.muli %parallel_loop3A_72, %parallel_loop3A_89 : i32
      %parallel_loop3A_91 = arith.constant 8 : i32
      %parallel_loop3A_92 = arith.divsi %parallel_loop3A_88, %parallel_loop3A_91 : i32
      %parallel_loop3A_93 = arith.constant 0 : i32
      %parallel_loop3A_94 = arith.cmpi sgt, %parallel_loop3A_88, %parallel_loop3A_93 : i32
      %parallel_loop3A_95 = arith.extui %parallel_loop3A_94 : i1 to i32
      %parallel_loop3A_96 = arith.constant 0 : i32
      %parallel_loop3A_97 = arith.cmpi slt, %parallel_loop3A_88, %parallel_loop3A_96 : i32
      %parallel_loop3A_98 = arith.extui %parallel_loop3A_97 : i1 to i32
      %parallel_loop3A_99 = arith.subi %parallel_loop3A_95, %parallel_loop3A_98 : i32
      %parallel_loop3A_100 = arith.constant 0 : i32
      %parallel_loop3A_101 = arith.cmpi sgt, %parallel_loop3A_91, %parallel_loop3A_100 : i32
      %parallel_loop3A_102 = arith.extui %parallel_loop3A_101 : i1 to i32
      %parallel_loop3A_103 = arith.constant 0 : i32
      %parallel_loop3A_104 = arith.cmpi slt, %parallel_loop3A_91, %parallel_loop3A_103 : i32
      %parallel_loop3A_105 = arith.extui %parallel_loop3A_104 : i1 to i32
      %parallel_loop3A_106 = arith.subi %parallel_loop3A_102, %parallel_loop3A_105 : i32
      %parallel_loop3A_107 = arith.cmpi ne, %parallel_loop3A_99, %parallel_loop3A_106 : i32
      %parallel_loop3A_108 = arith.remsi %parallel_loop3A_88, %parallel_loop3A_91 : i32
      %parallel_loop3A_109 = arith.constant 0 : i32
      %parallel_loop3A_110 = arith.cmpi ne, %parallel_loop3A_108, %parallel_loop3A_109 : i32
      %parallel_loop3A_111 = arith.andi %parallel_loop3A_107, %parallel_loop3A_110 : i1
      %parallel_loop3A_112 = arith.constant 1 : i32
      %parallel_loop3A_113 = arith.subi %parallel_loop3A_92, %parallel_loop3A_112 : i32
      %parallel_loop3A_114 = arith.select %parallel_loop3A_111, %parallel_loop3A_113, %parallel_loop3A_92 : i32
      %parallel_loop3A_115 = arith.constant 4096 : i32
      %parallel_loop3A_116 = arith.muli %parallel_loop3A_114, %parallel_loop3A_115 : i32
      %parallel_loop3A_117 = arith.addi %parallel_loop3A_90, %parallel_loop3A_116 : i32
      %parallel_loop3A_118 = arith.constant 8 : i32
      %parallel_loop3A_119 = arith.constant 0 : i32
      %parallel_loop3A_120 = arith.cmpi eq, %parallel_loop3A_118, %parallel_loop3A_119 : i32
      %parallel_loop3A_121 = arith.constant 1 : i32
      %parallel_loop3A_122 = arith.select %parallel_loop3A_120, %parallel_loop3A_121, %parallel_loop3A_118 : i32
      %parallel_loop3A_123 = arith.remsi %parallel_loop3A_88, %parallel_loop3A_122 : i32
      %parallel_loop3A_124 = arith.constant 0 : i32
      %parallel_loop3A_125 = arith.cmpi ne, %parallel_loop3A_123, %parallel_loop3A_124 : i32
      %parallel_loop3A_126 = arith.constant 0 : i32
      %parallel_loop3A_127 = arith.cmpi slt, %parallel_loop3A_123, %parallel_loop3A_126 : i32
      %parallel_loop3A_128 = arith.constant 0 : i32
      %parallel_loop3A_129 = arith.cmpi slt, %parallel_loop3A_122, %parallel_loop3A_128 : i32
      %parallel_loop3A_130 = arith.xori %parallel_loop3A_127, %parallel_loop3A_129 : i1
      %parallel_loop3A_131 = arith.andi %parallel_loop3A_130, %parallel_loop3A_125 : i1
      %parallel_loop3A_132 = arith.addi %parallel_loop3A_123, %parallel_loop3A_122 : i32
      %parallel_loop3A_133 = arith.select %parallel_loop3A_131, %parallel_loop3A_132, %parallel_loop3A_123 : i32
      %parallel_loop3A_134 = arith.constant 128 : i32
      %parallel_loop3A_135 = arith.muli %parallel_loop3A_133, %parallel_loop3A_134 : i32
      %parallel_loop3A_136 = arith.addi %parallel_loop3A_117, %parallel_loop3A_135 : i32
      %parallel_loop3A_137 = arith.constant 128 : i32
      %parallel_loop3A_138 = arith.muli %parallel_loop3A_72, %parallel_loop3A_137 : i32
      %parallel_loop3A_139 = arith.constant 65 : i32
      %parallel_loop3A_140 = arith.muli %parallel_loop3A_138, %parallel_loop3A_139 : i32
      %parallel_loop3A_141 = arith.addi %parallel_loop3A_140, %parallel_loop3A_88 : i32
      %parallel_loop3A_142 = arith.constant 0 : i32
      %parallel_loop3A_143 = arith.addi %parallel_loop3A_141, %parallel_loop3A_142 : i32
      %parallel_loop3A_144 = vector.broadcast %parallel_loop3A_143 : i32 to vector<16xi32>
      %parallel_loop3A_145 = arith.addi %mul3A_5, %parallel_loop3A_144 : vector<16xi32>
      %parallel_loop3A_146 = tpu.vector_load_idx %arg7[%parallel_loop3A_145] : memref<33280xf32, #tpu.memory_space<vmem>>[vector<16xi32>], vector<16xf32>,
      %parallel_loop3A_147 = arith.constant 0 : i32
      %parallel_loop3A_148 = arith.addi %parallel_loop3A_136, %parallel_loop3A_147 : i32
      %parallel_loop3A_149 = arith.index_cast %parallel_loop3A_148 : i32 to index
      %parallel_loop3A_150 = tpu.vector_load %arg8[%parallel_loop3A_149] {strides = array<i32>} : memref<32768xf32, #tpu.memory_space<vmem>>, vector<16xf32>,
      tpu.vector_store %arg8[%parallel_loop3A_149], %parallel_loop3A_146 {strides = array<i32>} : memref<32768xf32, #tpu.memory_space<vmem>>, vector<16xf32>,
      %parallel_loop3A_151 = arith.constant 1040 : i32
      %parallel_loop3A_152 = arith.addi %parallel_loop3A_141, %parallel_loop3A_151 : i32
      %parallel_loop3A_153 = vector.broadcast %parallel_loop3A_152 : i32 to vector<16xi32>
      %parallel_loop3A_154 = arith.addi %mul3A_5, %parallel_loop3A_153 : vector<16xi32>
      %parallel_loop3A_155 = tpu.vector_load_idx %arg7[%parallel_loop3A_154] : memref<33280xf32, #tpu.memory_space<vmem>>[vector<16xi32>], vector<16xf32>,
      %parallel_loop3A_156 = arith.constant 16 : i32
      %parallel_loop3A_157 = arith.addi %parallel_loop3A_136, %parallel_loop3A_156 : i32
      %parallel_loop3A_158 = arith.index_cast %parallel_loop3A_157 : i32 to index
      %parallel_loop3A_159 = tpu.vector_load %arg8[%parallel_loop3A_158] {strides = array<i32>} : memref<32768xf32, #tpu.memory_space<vmem>>, vector<16xf32>,
      tpu.vector_store %arg8[%parallel_loop3A_158], %parallel_loop3A_155 {strides = array<i32>} : memref<32768xf32, #tpu.memory_space<vmem>>, vector<16xf32>,
      %parallel_loop3A_160 = arith.constant 2080 : i32
      %parallel_loop3A_161 = arith.addi %parallel_loop3A_141, %parallel_loop3A_160 : i32
      %parallel_loop3A_162 = vector.broadcast %parallel_loop3A_161 : i32 to vector<16xi32>
      %parallel_loop3A_163 = arith.addi %mul3A_5, %parallel_loop3A_162 : vector<16xi32>
      %parallel_loop3A_164 = tpu.vector_load_idx %arg7[%parallel_loop3A_163] : memref<33280xf32, #tpu.memory_space<vmem>>[vector<16xi32>], vector<16xf32>,
      %parallel_loop3A_165 = arith.constant 32 : i32
      %parallel_loop3A_166 = arith.addi %parallel_loop3A_136, %parallel_loop3A_165 : i32
      %parallel_loop3A_167 = arith.index_cast %parallel_loop3A_166 : i32 to index
      %parallel_loop3A_168 = tpu.vector_load %arg8[%parallel_loop3A_167] {strides = array<i32>} : memref<32768xf32, #tpu.memory_space<vmem>>, vector<16xf32>,
      tpu.vector_store %arg8[%parallel_loop3A_167], %parallel_loop3A_164 {strides = array<i32>} : memref<32768xf32, #tpu.memory_space<vmem>>, vector<16xf32>,
      %parallel_loop3A_169 = arith.constant 3120 : i32
      %parallel_loop3A_170 = arith.addi %parallel_loop3A_141, %parallel_loop3A_169 : i32
      %parallel_loop3A_171 = vector.broadcast %parallel_loop3A_170 : i32 to vector<16xi32>
      %parallel_loop3A_172 = arith.addi %mul3A_5, %parallel_loop3A_171 : vector<16xi32>
      %parallel_loop3A_173 = tpu.vector_load_idx %arg7[%parallel_loop3A_172] : memref<33280xf32, #tpu.memory_space<vmem>>[vector<16xi32>], vector<16xf32>,
      %parallel_loop3A_174 = arith.constant 48 : i32
      %parallel_loop3A_175 = arith.addi %parallel_loop3A_136, %parallel_loop3A_174 : i32
      %parallel_loop3A_176 = arith.index_cast %parallel_loop3A_175 : i32 to index
      %parallel_loop3A_177 = tpu.vector_load %arg8[%parallel_loop3A_176] {strides = array<i32>} : memref<32768xf32, #tpu.memory_space<vmem>>, vector<16xf32>,
      tpu.vector_store %arg8[%parallel_loop3A_176], %parallel_loop3A_173 {strides = array<i32>} : memref<32768xf32, #tpu.memory_space<vmem>>, vector<16xf32>,
      %parallel_loop3A_178 = arith.constant 4160 : i32
      %parallel_loop3A_179 = arith.addi %parallel_loop3A_141, %parallel_loop3A_178 : i32
      %parallel_loop3A_180 = vector.broadcast %parallel_loop3A_179 : i32 to vector<16xi32>
      %parallel_loop3A_181 = arith.addi %mul3A_5, %parallel_loop3A_180 : vector<16xi32>
      %parallel_loop3A_182 = tpu.vector_load_idx %arg7[%parallel_loop3A_181] : memref<33280xf32, #tpu.memory_space<vmem>>[vector<16xi32>], vector<16xf32>,
      %parallel_loop3A_183 = arith.constant 64 : i32
      %parallel_loop3A_184 = arith.addi %parallel_loop3A_136, %parallel_loop3A_183 : i32
      %parallel_loop3A_185 = arith.index_cast %parallel_loop3A_184 : i32 to index
      %parallel_loop3A_186 = tpu.vector_load %arg8[%parallel_loop3A_185] {strides = array<i32>} : memref<32768xf32, #tpu.memory_space<vmem>>, vector<16xf32>,
      tpu.vector_store %arg8[%parallel_loop3A_185], %parallel_loop3A_182 {strides = array<i32>} : memref<32768xf32, #tpu.memory_space<vmem>>, vector<16xf32>,
      %parallel_loop3A_187 = arith.constant 5200 : i32
      %parallel_loop3A_188 = arith.addi %parallel_loop3A_141, %parallel_loop3A_187 : i32
      %parallel_loop3A_189 = vector.broadcast %parallel_loop3A_188 : i32 to vector<16xi32>
      %parallel_loop3A_190 = arith.addi %mul3A_5, %parallel_loop3A_189 : vector<16xi32>
      %parallel_loop3A_191 = tpu.vector_load_idx %arg7[%parallel_loop3A_190] : memref<33280xf32, #tpu.memory_space<vmem>>[vector<16xi32>], vector<16xf32>,
      %parallel_loop3A_192 = arith.constant 80 : i32
      %parallel_loop3A_193 = arith.addi %parallel_loop3A_136, %parallel_loop3A_192 : i32
      %parallel_loop3A_194 = arith.index_cast %parallel_loop3A_193 : i32 to index
      %parallel_loop3A_195 = tpu.vector_load %arg8[%parallel_loop3A_194] {strides = array<i32>} : memref<32768xf32, #tpu.memory_space<vmem>>, vector<16xf32>,
      tpu.vector_store %arg8[%parallel_loop3A_194], %parallel_loop3A_191 {strides = array<i32>} : memref<32768xf32, #tpu.memory_space<vmem>>, vector<16xf32>,
      %parallel_loop3A_196 = arith.constant 6240 : i32
      %parallel_loop3A_197 = arith.addi %parallel_loop3A_141, %parallel_loop3A_196 : i32
      %parallel_loop3A_198 = vector.broadcast %parallel_loop3A_197 : i32 to vector<16xi32>
      %parallel_loop3A_199 = arith.addi %mul3A_5, %parallel_loop3A_198 : vector<16xi32>
      %parallel_loop3A_200 = tpu.vector_load_idx %arg7[%parallel_loop3A_199] : memref<33280xf32, #tpu.memory_space<vmem>>[vector<16xi32>], vector<16xf32>,
      %parallel_loop3A_201 = arith.constant 96 : i32
      %parallel_loop3A_202 = arith.addi %parallel_loop3A_136, %parallel_loop3A_201 : i32
      %parallel_loop3A_203 = arith.index_cast %parallel_loop3A_202 : i32 to index
      %parallel_loop3A_204 = tpu.vector_load %arg8[%parallel_loop3A_203] {strides = array<i32>} : memref<32768xf32, #tpu.memory_space<vmem>>, vector<16xf32>,
      tpu.vector_store %arg8[%parallel_loop3A_203], %parallel_loop3A_200 {strides = array<i32>} : memref<32768xf32, #tpu.memory_space<vmem>>, vector<16xf32>,
      %parallel_loop3A_205 = arith.constant 7280 : i32
      %parallel_loop3A_206 = arith.addi %parallel_loop3A_141, %parallel_loop3A_205 : i32
      %parallel_loop3A_207 = vector.broadcast %parallel_loop3A_206 : i32 to vector<16xi32>
      %parallel_loop3A_208 = arith.addi %mul3A_5, %parallel_loop3A_207 : vector<16xi32>
      %parallel_loop3A_209 = tpu.vector_load_idx %arg7[%parallel_loop3A_208] : memref<33280xf32, #tpu.memory_space<vmem>>[vector<16xi32>], vector<16xf32>,
      %parallel_loop3A_210 = arith.constant 112 : i32
      %parallel_loop3A_211 = arith.addi %parallel_loop3A_136, %parallel_loop3A_210 : i32
      %parallel_loop3A_212 = arith.index_cast %parallel_loop3A_211 : i32 to index
      %parallel_loop3A_213 = tpu.vector_load %arg8[%parallel_loop3A_212] {strides = array<i32>} : memref<32768xf32, #tpu.memory_space<vmem>>, vector<16xf32>,
      tpu.vector_store %arg8[%parallel_loop3A_212], %parallel_loop3A_209 {strides = array<i32>} : memref<32768xf32, #tpu.memory_space<vmem>>, vector<16xf32>,
    } {sc.loop_unroll_factor = 8 : i64, sc.parallel_access}
    %add3A_26 = arith.constant 0 : i32
    %add3A_27 = arith.addi %mul3A_2, %add3A_26 : i32
    %dma_start3A_28 = arith.constant 0 : i32
    %dma_start3A_29 = tpu.memref_slice %arg4[%add3A_27, %dma_start3A_28] : memref<4096x32768xf32, #tpu.memory_space<hbm>> -> memref<1x32768xf32, #tpu.memory_space<hbm>>
    %dma_start3A_30 = tpu.memref_squeeze %dma_start3A_29 : memref<1x32768xf32, #tpu.memory_space<hbm>> -> memref<32768xf32, #tpu.memory_space<hbm>>
    %dma_start3A_31 = arith.constant 0 : i32
    %dma_start3A_32 = tpu.memref_slice %arg4[%add3A_27, %dma_start3A_31] : memref<4096x32768xf32, #tpu.memory_space<hbm>> -> memref<1x32768xf32, #tpu.memory_space<hbm>>
    %dma_start3A_33 = tpu.memref_squeeze %dma_start3A_32 : memref<1x32768xf32, #tpu.memory_space<hbm>> -> memref<32768xf32, #tpu.memory_space<hbm>>
    tpu.enqueue_dma source(%arg8 : memref<32768xf32, #tpu.memory_space<vmem>>) target(%dma_start3A_33 : memref<32768xf32, #tpu.memory_space<hbm>>) target_semaphore(%arg10 : memref<!tpu.dma_semaphore, #tpu.memory_space<semaphore_mem>>)
    %scan3A = arith.constant 0 : i32
    %scan3A_34 = arith.constant 1 : i32
    %scan3A_35 = arith.constant 127 : i32
    %scan3A_36 = arith.addi %scan3A_34, %scan3A_35 : i32
    %scan3A_37 = arith.constant 1 : i32
    scf.for %scan3A_48 = %scan3A_34 to %scan3A_36 step %scan3A_37  : i32 {
      %dma_wait3A_49 = arith.constant 0 : i32
      %dma_wait3A_50 = arith.constant 0 : i32
      %dma_wait3A_51 = tpu.memref_slice %arg3[%dma_wait3A_49, %dma_wait3A_50] : memref<1000000x64xf32, #tpu.memory_space<hbm>> -> memref<1000000x64xf32, #tpu.memory_space<hbm>>
      tpu.wait_indirect_dma semaphore(%arg9 : memref<!tpu.dma_semaphore, #tpu.memory_space<semaphore_mem>>) src(%dma_wait3A_51 : memref<1000000x64xf32, #tpu.memory_space<hbm>>) dst(%arg6 : memref<512x64xf32, #tpu.memory_space<vmem>>)
      %parallel_loop3A_52 = arith.constant 0 : i32
      %parallel_loop3A_53 = arith.constant 512 : i32
      %parallel_loop3A_54 = arith.constant 1 : i32
      scf.for %parallel_loop3A_80 = %parallel_loop3A_52 to %parallel_loop3A_53 step %parallel_loop3A_54  : i32 {
        %parallel_loop3A_81 = arith.constant 65 : i32
        %parallel_loop3A_82 = arith.muli %parallel_loop3A_80, %parallel_loop3A_81 : i32
        %parallel_loop3A_83 = arith.index_cast %parallel_loop3A_80 : i32 to index
        %parallel_loop3A_84 = arith.constant 0 : index
        %parallel_loop3A_85 = tpu.vector_load %arg6[%parallel_loop3A_83, %parallel_loop3A_84] {strides = array<i32>} : memref<512x64xf32, #tpu.memory_space<vmem>>, vector<16xf32>,
        %parallel_loop3A_86 = arith.constant 0 : i32
        %parallel_loop3A_87 = arith.addi %parallel_loop3A_82, %parallel_loop3A_86 : i32
        %parallel_loop3A_88 = arith.index_cast %parallel_loop3A_87 : i32 to index
        %parallel_loop3A_89 = tpu.vector_load %arg7[%parallel_loop3A_88] {strides = array<i32>} : memref<33280xf32, #tpu.memory_space<vmem>>, vector<16xf32>,
        tpu.vector_store %arg7[%parallel_loop3A_88], %parallel_loop3A_85 {strides = array<i32>} : memref<33280xf32, #tpu.memory_space<vmem>>, vector<16xf32>,
        %parallel_loop3A_90 = arith.index_cast %parallel_loop3A_80 : i32 to index
        %parallel_loop3A_91 = arith.constant 16 : index
        %parallel_loop3A_92 = tpu.vector_load %arg6[%parallel_loop3A_90, %parallel_loop3A_91] {strides = array<i32>} : memref<512x64xf32, #tpu.memory_space<vmem>>, vector<16xf32>,
        %parallel_loop3A_93 = arith.constant 16 : i32
        %parallel_loop3A_94 = arith.addi %parallel_loop3A_82, %parallel_loop3A_93 : i32
        %parallel_loop3A_95 = arith.index_cast %parallel_loop3A_94 : i32 to index
        %parallel_loop3A_96 = tpu.vector_load %arg7[%parallel_loop3A_95] {strides = array<i32>} : memref<33280xf32, #tpu.memory_space<vmem>>, vector<16xf32>,
        tpu.vector_store %arg7[%parallel_loop3A_95], %parallel_loop3A_92 {strides = array<i32>} : memref<33280xf32, #tpu.memory_space<vmem>>, vector<16xf32>,
        %parallel_loop3A_97 = arith.index_cast %parallel_loop3A_80 : i32 to index
        %parallel_loop3A_98 = arith.constant 32 : index
        %parallel_loop3A_99 = tpu.vector_load %arg6[%parallel_loop3A_97, %parallel_loop3A_98] {strides = array<i32>} : memref<512x64xf32, #tpu.memory_space<vmem>>, vector<16xf32>,
        %parallel_loop3A_100 = arith.constant 32 : i32
        %parallel_loop3A_101 = arith.addi %parallel_loop3A_82, %parallel_loop3A_100 : i32
        %parallel_loop3A_102 = arith.index_cast %parallel_loop3A_101 : i32 to index
        %parallel_loop3A_103 = tpu.vector_load %arg7[%parallel_loop3A_102] {strides = array<i32>} : memref<33280xf32, #tpu.memory_space<vmem>>, vector<16xf32>,
        tpu.vector_store %arg7[%parallel_loop3A_102], %parallel_loop3A_99 {strides = array<i32>} : memref<33280xf32, #tpu.memory_space<vmem>>, vector<16xf32>,
        %parallel_loop3A_104 = arith.index_cast %parallel_loop3A_80 : i32 to index
        %parallel_loop3A_105 = arith.constant 48 : index
        %parallel_loop3A_106 = tpu.vector_load %arg6[%parallel_loop3A_104, %parallel_loop3A_105] {strides = array<i32>} : memref<512x64xf32, #tpu.memory_space<vmem>>, vector<16xf32>,
        %parallel_loop3A_107 = arith.constant 48 : i32
        %parallel_loop3A_108 = arith.addi %parallel_loop3A_82, %parallel_loop3A_107 : i32
        %parallel_loop3A_109 = arith.index_cast %parallel_loop3A_108 : i32 to index
        %parallel_loop3A_110 = tpu.vector_load %arg7[%parallel_loop3A_109] {strides = array<i32>} : memref<33280xf32, #tpu.memory_space<vmem>>, vector<16xf32>,
        tpu.vector_store %arg7[%parallel_loop3A_109], %parallel_loop3A_106 {strides = array<i32>} : memref<33280xf32, #tpu.memory_space<vmem>>, vector<16xf32>,
      } {sc.loop_unroll_factor = 8 : i64, sc.parallel_access}
      %add3A_55 = arith.constant 1 : i32
      %add3A_56 = arith.addi %scan3A_48, %add3A_55 : i32
      %min3A = arith.constant 127 : i32
      %min3A_57 = arith.minsi %add3A_56, %min3A : i32
      %add3A_58 = arith.addi %mul3A_2, %min3A_57 : i32
      %mul3A_59 = arith.constant 512 : i32
      %mul3A_60 = arith.muli %add3A_58, %mul3A_59 : i32
      "tpu.region"() ({
        %run_scoped3A = tpu.sem_alloc : memref<!tpu.dma_semaphore, #tpu.memory_space<semaphore_mem>>
        %dma_start3A_80 = tpu.memref_slice %arg2[%mul3A_60] : memref<2097152xi32, #tpu.memory_space<hbm>> -> memref<512xi32, #tpu.memory_space<hbm>>
        %dma_start3A_81 = tpu.memref_slice %arg2[%mul3A_60] : memref<2097152xi32, #tpu.memory_space<hbm>> -> memref<512xi32, #tpu.memory_space<hbm>>
        tpu.enqueue_dma source(%dma_start3A_81 : memref<512xi32, #tpu.memory_space<hbm>>) target(%arg5 : memref<512xi32, #tpu.memory_space<vmem>>) target_semaphore(%run_scoped3A : memref<!tpu.dma_semaphore, #tpu.memory_space<semaphore_mem>>)
        %dma_wait3A_82 = tpu.memref_slice %arg2[%mul3A_60] : memref<2097152xi32, #tpu.memory_space<hbm>> -> memref<512xi32, #tpu.memory_space<hbm>>
        %dma_wait3A_83 = tpu.memref_slice %arg2[%mul3A_60] : memref<2097152xi32, #tpu.memory_space<hbm>> -> memref<512xi32, #tpu.memory_space<hbm>>
        tpu.wait_dma2 semaphore(%run_scoped3A : memref<!tpu.dma_semaphore, #tpu.memory_space<semaphore_mem>>) src(%dma_wait3A_83 : memref<512xi32, #tpu.memory_space<hbm>>) dst(%arg5 : memref<512xi32, #tpu.memory_space<vmem>>)
        tpu.yield
      }) : () -> ()
      %dma_start3A_61 = arith.constant 0 : i32
      %dma_start3A_62 = arith.constant 0 : i32
      %dma_start3A_63 = tpu.memref_slice %arg3[%dma_start3A_61, %dma_start3A_62] : memref<1000000x64xf32, #tpu.memory_space<hbm>> -> memref<1000000x64xf32, #tpu.memory_space<hbm>>
      tpu.enqueue_indirect_dma source(%dma_start3A_63 : memref<1000000x64xf32, #tpu.memory_space<hbm>>) target(%arg6 : memref<512x64xf32, #tpu.memory_space<vmem>>) offsets(%arg5 : memref<512xi32, #tpu.memory_space<vmem>>) semaphore(%arg9 : memref<!tpu.dma_semaphore, #tpu.memory_space<semaphore_mem>>)
      %dma_wait3A_64 = arith.constant 0 : i32
      %dma_wait3A_65 = tpu.memref_slice %arg4[%mul3A_2, %dma_wait3A_64] : memref<4096x32768xf32, #tpu.memory_space<hbm>> -> memref<1x32768xf32, #tpu.memory_space<hbm>>
      %dma_wait3A_66 = tpu.memref_squeeze %dma_wait3A_65 : memref<1x32768xf32, #tpu.memory_space<hbm>> -> memref<32768xf32, #tpu.memory_space<hbm>>
      %dma_wait3A_67 = arith.constant 0 : i32
      %dma_wait3A_68 = tpu.memref_slice %arg4[%mul3A_2, %dma_wait3A_67] : memref<4096x32768xf32, #tpu.memory_space<hbm>> -> memref<1x32768xf32, #tpu.memory_space<hbm>>
      %dma_wait3A_69 = tpu.memref_squeeze %dma_wait3A_68 : memref<1x32768xf32, #tpu.memory_space<hbm>> -> memref<32768xf32, #tpu.memory_space<hbm>>
      tpu.wait_dma2 semaphore(%arg10 : memref<!tpu.dma_semaphore, #tpu.memory_space<semaphore_mem>>) src(%arg8 : memref<32768xf32, #tpu.memory_space<vmem>>) dst(%dma_wait3A_69 : memref<32768xf32, #tpu.memory_space<hbm>>)
      %parallel_loop3A_70 = arith.constant 0 : i32
      %parallel_loop3A_71 = arith.constant 256 : i32
      %parallel_loop3A_72 = arith.constant 1 : i32
      scf.for %parallel_loop3A_80 = %parallel_loop3A_70 to %parallel_loop3A_71 step %parallel_loop3A_72  : i32 {
        %parallel_loop3A_81 = arith.constant 64 : i32
        %parallel_loop3A_82 = arith.divsi %parallel_loop3A_80, %parallel_loop3A_81 : i32
        %parallel_loop3A_83 = arith.constant 0 : i32
        %parallel_loop3A_84 = arith.cmpi sgt, %parallel_loop3A_80, %parallel_loop3A_83 : i32
        %parallel_loop3A_85 = arith.extui %parallel_loop3A_84 : i1 to i32
        %parallel_loop3A_86 = arith.constant 0 : i32
        %parallel_loop3A_87 = arith.cmpi slt, %parallel_loop3A_80, %parallel_loop3A_86 : i32
        %parallel_loop3A_88 = arith.extui %parallel_loop3A_87 : i1 to i32
        %parallel_loop3A_89 = arith.subi %parallel_loop3A_85, %parallel_loop3A_88 : i32
        %parallel_loop3A_90 = arith.constant 0 : i32
        %parallel_loop3A_91 = arith.cmpi sgt, %parallel_loop3A_81, %parallel_loop3A_90 : i32
        %parallel_loop3A_92 = arith.extui %parallel_loop3A_91 : i1 to i32
        %parallel_loop3A_93 = arith.constant 0 : i32
        %parallel_loop3A_94 = arith.cmpi slt, %parallel_loop3A_81, %parallel_loop3A_93 : i32
        %parallel_loop3A_95 = arith.extui %parallel_loop3A_94 : i1 to i32
        %parallel_loop3A_96 = arith.subi %parallel_loop3A_92, %parallel_loop3A_95 : i32
        %parallel_loop3A_97 = arith.cmpi ne, %parallel_loop3A_89, %parallel_loop3A_96 : i32
        %parallel_loop3A_98 = arith.remsi %parallel_loop3A_80, %parallel_loop3A_81 : i32
        %parallel_loop3A_99 = arith.constant 0 : i32
        %parallel_loop3A_100 = arith.cmpi ne, %parallel_loop3A_98, %parallel_loop3A_99 : i32
        %parallel_loop3A_101 = arith.andi %parallel_loop3A_97, %parallel_loop3A_100 : i1
        %parallel_loop3A_102 = arith.constant 1 : i32
        %parallel_loop3A_103 = arith.subi %parallel_loop3A_82, %parallel_loop3A_102 : i32
        %parallel_loop3A_104 = arith.select %parallel_loop3A_101, %parallel_loop3A_103, %parallel_loop3A_82 : i32
        %parallel_loop3A_105 = arith.constant 64 : i32
        %parallel_loop3A_106 = arith.constant 0 : i32
        %parallel_loop3A_107 = arith.cmpi eq, %parallel_loop3A_105, %parallel_loop3A_106 : i32
        %parallel_loop3A_108 = arith.constant 1 : i32
        %parallel_loop3A_109 = arith.select %parallel_loop3A_107, %parallel_loop3A_108, %parallel_loop3A_105 : i32
        %parallel_loop3A_110 = arith.remsi %parallel_loop3A_80, %parallel_loop3A_109 : i32
        %parallel_loop3A_111 = arith.constant 0 : i32
        %parallel_loop3A_112 = arith.cmpi ne, %parallel_loop3A_110, %parallel_loop3A_111 : i32
        %parallel_loop3A_113 = arith.constant 0 : i32
        %parallel_loop3A_114 = arith.cmpi slt, %parallel_loop3A_110, %parallel_loop3A_113 : i32
        %parallel_loop3A_115 = arith.constant 0 : i32
        %parallel_loop3A_116 = arith.cmpi slt, %parallel_loop3A_109, %parallel_loop3A_115 : i32
        %parallel_loop3A_117 = arith.xori %parallel_loop3A_114, %parallel_loop3A_116 : i1
        %parallel_loop3A_118 = arith.andi %parallel_loop3A_117, %parallel_loop3A_112 : i1
        %parallel_loop3A_119 = arith.addi %parallel_loop3A_110, %parallel_loop3A_109 : i32
        %parallel_loop3A_120 = arith.select %parallel_loop3A_118, %parallel_loop3A_119, %parallel_loop3A_110 : i32
        %parallel_loop3A_121 = arith.constant 1024 : i32
        %parallel_loop3A_122 = arith.muli %parallel_loop3A_104, %parallel_loop3A_121 : i32
        %parallel_loop3A_123 = arith.constant 8 : i32
        %parallel_loop3A_124 = arith.divsi %parallel_loop3A_120, %parallel_loop3A_123 : i32
        %parallel_loop3A_125 = arith.constant 0 : i32
        %parallel_loop3A_126 = arith.cmpi sgt, %parallel_loop3A_120, %parallel_loop3A_125 : i32
        %parallel_loop3A_127 = arith.extui %parallel_loop3A_126 : i1 to i32
        %parallel_loop3A_128 = arith.constant 0 : i32
        %parallel_loop3A_129 = arith.cmpi slt, %parallel_loop3A_120, %parallel_loop3A_128 : i32
        %parallel_loop3A_130 = arith.extui %parallel_loop3A_129 : i1 to i32
        %parallel_loop3A_131 = arith.subi %parallel_loop3A_127, %parallel_loop3A_130 : i32
        %parallel_loop3A_132 = arith.constant 0 : i32
        %parallel_loop3A_133 = arith.cmpi sgt, %parallel_loop3A_123, %parallel_loop3A_132 : i32
        %parallel_loop3A_134 = arith.extui %parallel_loop3A_133 : i1 to i32
        %parallel_loop3A_135 = arith.constant 0 : i32
        %parallel_loop3A_136 = arith.cmpi slt, %parallel_loop3A_123, %parallel_loop3A_135 : i32
        %parallel_loop3A_137 = arith.extui %parallel_loop3A_136 : i1 to i32
        %parallel_loop3A_138 = arith.subi %parallel_loop3A_134, %parallel_loop3A_137 : i32
        %parallel_loop3A_139 = arith.cmpi ne, %parallel_loop3A_131, %parallel_loop3A_138 : i32
        %parallel_loop3A_140 = arith.remsi %parallel_loop3A_120, %parallel_loop3A_123 : i32
        %parallel_loop3A_141 = arith.constant 0 : i32
        %parallel_loop3A_142 = arith.cmpi ne, %parallel_loop3A_140, %parallel_loop3A_141 : i32
        %parallel_loop3A_143 = arith.andi %parallel_loop3A_139, %parallel_loop3A_142 : i1
        %parallel_loop3A_144 = arith.constant 1 : i32
        %parallel_loop3A_145 = arith.subi %parallel_loop3A_124, %parallel_loop3A_144 : i32
        %parallel_loop3A_146 = arith.select %parallel_loop3A_143, %parallel_loop3A_145, %parallel_loop3A_124 : i32
        %parallel_loop3A_147 = arith.constant 4096 : i32
        %parallel_loop3A_148 = arith.muli %parallel_loop3A_146, %parallel_loop3A_147 : i32
        %parallel_loop3A_149 = arith.addi %parallel_loop3A_122, %parallel_loop3A_148 : i32
        %parallel_loop3A_150 = arith.constant 8 : i32
        %parallel_loop3A_151 = arith.constant 0 : i32
        %parallel_loop3A_152 = arith.cmpi eq, %parallel_loop3A_150, %parallel_loop3A_151 : i32
        %parallel_loop3A_153 = arith.constant 1 : i32
        %parallel_loop3A_154 = arith.select %parallel_loop3A_152, %parallel_loop3A_153, %parallel_loop3A_150 : i32
        %parallel_loop3A_155 = arith.remsi %parallel_loop3A_120, %parallel_loop3A_154 : i32
        %parallel_loop3A_156 = arith.constant 0 : i32
        %parallel_loop3A_157 = arith.cmpi ne, %parallel_loop3A_155, %parallel_loop3A_156 : i32
        %parallel_loop3A_158 = arith.constant 0 : i32
        %parallel_loop3A_159 = arith.cmpi slt, %parallel_loop3A_155, %parallel_loop3A_158 : i32
        %parallel_loop3A_160 = arith.constant 0 : i32
        %parallel_loop3A_161 = arith.cmpi slt, %parallel_loop3A_154, %parallel_loop3A_160 : i32
        %parallel_loop3A_162 = arith.xori %parallel_loop3A_159, %parallel_loop3A_161 : i1
        %parallel_loop3A_163 = arith.andi %parallel_loop3A_162, %parallel_loop3A_157 : i1
        %parallel_loop3A_164 = arith.addi %parallel_loop3A_155, %parallel_loop3A_154 : i32
        %parallel_loop3A_165 = arith.select %parallel_loop3A_163, %parallel_loop3A_164, %parallel_loop3A_155 : i32
        %parallel_loop3A_166 = arith.constant 128 : i32
        %parallel_loop3A_167 = arith.muli %parallel_loop3A_165, %parallel_loop3A_166 : i32
        %parallel_loop3A_168 = arith.addi %parallel_loop3A_149, %parallel_loop3A_167 : i32
        %parallel_loop3A_169 = arith.constant 128 : i32
        %parallel_loop3A_170 = arith.muli %parallel_loop3A_104, %parallel_loop3A_169 : i32
        %parallel_loop3A_171 = arith.constant 65 : i32
        %parallel_loop3A_172 = arith.muli %parallel_loop3A_170, %parallel_loop3A_171 : i32
        %parallel_loop3A_173 = arith.addi %parallel_loop3A_172, %parallel_loop3A_120 : i32
        %parallel_loop3A_174 = arith.constant 0 : i32
        %parallel_loop3A_175 = arith.addi %parallel_loop3A_173, %parallel_loop3A_174 : i32
        %parallel_loop3A_176 = vector.broadcast %parallel_loop3A_175 : i32 to vector<16xi32>
        %parallel_loop3A_177 = arith.addi %mul3A_5, %parallel_loop3A_176 : vector<16xi32>
        %parallel_loop3A_178 = tpu.vector_load_idx %arg7[%parallel_loop3A_177] : memref<33280xf32, #tpu.memory_space<vmem>>[vector<16xi32>], vector<16xf32>,
        %parallel_loop3A_179 = arith.constant 0 : i32
        %parallel_loop3A_180 = arith.addi %parallel_loop3A_168, %parallel_loop3A_179 : i32
        %parallel_loop3A_181 = arith.index_cast %parallel_loop3A_180 : i32 to index
        %parallel_loop3A_182 = tpu.vector_load %arg8[%parallel_loop3A_181] {strides = array<i32>} : memref<32768xf32, #tpu.memory_space<vmem>>, vector<16xf32>,
        tpu.vector_store %arg8[%parallel_loop3A_181], %parallel_loop3A_178 {strides = array<i32>} : memref<32768xf32, #tpu.memory_space<vmem>>, vector<16xf32>,
        %parallel_loop3A_183 = arith.constant 1040 : i32
        %parallel_loop3A_184 = arith.addi %parallel_loop3A_173, %parallel_loop3A_183 : i32
        %parallel_loop3A_185 = vector.broadcast %parallel_loop3A_184 : i32 to vector<16xi32>
        %parallel_loop3A_186 = arith.addi %mul3A_5, %parallel_loop3A_185 : vector<16xi32>
        %parallel_loop3A_187 = tpu.vector_load_idx %arg7[%parallel_loop3A_186] : memref<33280xf32, #tpu.memory_space<vmem>>[vector<16xi32>], vector<16xf32>,
        %parallel_loop3A_188 = arith.constant 16 : i32
        %parallel_loop3A_189 = arith.addi %parallel_loop3A_168, %parallel_loop3A_188 : i32
        %parallel_loop3A_190 = arith.index_cast %parallel_loop3A_189 : i32 to index
        %parallel_loop3A_191 = tpu.vector_load %arg8[%parallel_loop3A_190] {strides = array<i32>} : memref<32768xf32, #tpu.memory_space<vmem>>, vector<16xf32>,
        tpu.vector_store %arg8[%parallel_loop3A_190], %parallel_loop3A_187 {strides = array<i32>} : memref<32768xf32, #tpu.memory_space<vmem>>, vector<16xf32>,
        %parallel_loop3A_192 = arith.constant 2080 : i32
        %parallel_loop3A_193 = arith.addi %parallel_loop3A_173, %parallel_loop3A_192 : i32
        %parallel_loop3A_194 = vector.broadcast %parallel_loop3A_193 : i32 to vector<16xi32>
        %parallel_loop3A_195 = arith.addi %mul3A_5, %parallel_loop3A_194 : vector<16xi32>
        %parallel_loop3A_196 = tpu.vector_load_idx %arg7[%parallel_loop3A_195] : memref<33280xf32, #tpu.memory_space<vmem>>[vector<16xi32>], vector<16xf32>,
        %parallel_loop3A_197 = arith.constant 32 : i32
        %parallel_loop3A_198 = arith.addi %parallel_loop3A_168, %parallel_loop3A_197 : i32
        %parallel_loop3A_199 = arith.index_cast %parallel_loop3A_198 : i32 to index
        %parallel_loop3A_200 = tpu.vector_load %arg8[%parallel_loop3A_199] {strides = array<i32>} : memref<32768xf32, #tpu.memory_space<vmem>>, vector<16xf32>,
        tpu.vector_store %arg8[%parallel_loop3A_199], %parallel_loop3A_196 {strides = array<i32>} : memref<32768xf32, #tpu.memory_space<vmem>>, vector<16xf32>,
        %parallel_loop3A_201 = arith.constant 3120 : i32
        %parallel_loop3A_202 = arith.addi %parallel_loop3A_173, %parallel_loop3A_201 : i32
        %parallel_loop3A_203 = vector.broadcast %parallel_loop3A_202 : i32 to vector<16xi32>
        %parallel_loop3A_204 = arith.addi %mul3A_5, %parallel_loop3A_203 : vector<16xi32>
        %parallel_loop3A_205 = tpu.vector_load_idx %arg7[%parallel_loop3A_204] : memref<33280xf32, #tpu.memory_space<vmem>>[vector<16xi32>], vector<16xf32>,
        %parallel_loop3A_206 = arith.constant 48 : i32
        %parallel_loop3A_207 = arith.addi %parallel_loop3A_168, %parallel_loop3A_206 : i32
        %parallel_loop3A_208 = arith.index_cast %parallel_loop3A_207 : i32 to index
        %parallel_loop3A_209 = tpu.vector_load %arg8[%parallel_loop3A_208] {strides = array<i32>} : memref<32768xf32, #tpu.memory_space<vmem>>, vector<16xf32>,
        tpu.vector_store %arg8[%parallel_loop3A_208], %parallel_loop3A_205 {strides = array<i32>} : memref<32768xf32, #tpu.memory_space<vmem>>, vector<16xf32>,
        %parallel_loop3A_210 = arith.constant 4160 : i32
        %parallel_loop3A_211 = arith.addi %parallel_loop3A_173, %parallel_loop3A_210 : i32
        %parallel_loop3A_212 = vector.broadcast %parallel_loop3A_211 : i32 to vector<16xi32>
        %parallel_loop3A_213 = arith.addi %mul3A_5, %parallel_loop3A_212 : vector<16xi32>
        %parallel_loop3A_214 = tpu.vector_load_idx %arg7[%parallel_loop3A_213] : memref<33280xf32, #tpu.memory_space<vmem>>[vector<16xi32>], vector<16xf32>,
        %parallel_loop3A_215 = arith.constant 64 : i32
        %parallel_loop3A_216 = arith.addi %parallel_loop3A_168, %parallel_loop3A_215 : i32
        %parallel_loop3A_217 = arith.index_cast %parallel_loop3A_216 : i32 to index
        %parallel_loop3A_218 = tpu.vector_load %arg8[%parallel_loop3A_217] {strides = array<i32>} : memref<32768xf32, #tpu.memory_space<vmem>>, vector<16xf32>,
        tpu.vector_store %arg8[%parallel_loop3A_217], %parallel_loop3A_214 {strides = array<i32>} : memref<32768xf32, #tpu.memory_space<vmem>>, vector<16xf32>,
        %parallel_loop3A_219 = arith.constant 5200 : i32
        %parallel_loop3A_220 = arith.addi %parallel_loop3A_173, %parallel_loop3A_219 : i32
        %parallel_loop3A_221 = vector.broadcast %parallel_loop3A_220 : i32 to vector<16xi32>
        %parallel_loop3A_222 = arith.addi %mul3A_5, %parallel_loop3A_221 : vector<16xi32>
        %parallel_loop3A_223 = tpu.vector_load_idx %arg7[%parallel_loop3A_222] : memref<33280xf32, #tpu.memory_space<vmem>>[vector<16xi32>], vector<16xf32>,
        %parallel_loop3A_224 = arith.constant 80 : i32
        %parallel_loop3A_225 = arith.addi %parallel_loop3A_168, %parallel_loop3A_224 : i32
        %parallel_loop3A_226 = arith.index_cast %parallel_loop3A_225 : i32 to index
        %parallel_loop3A_227 = tpu.vector_load %arg8[%parallel_loop3A_226] {strides = array<i32>} : memref<32768xf32, #tpu.memory_space<vmem>>, vector<16xf32>,
        tpu.vector_store %arg8[%parallel_loop3A_226], %parallel_loop3A_223 {strides = array<i32>} : memref<32768xf32, #tpu.memory_space<vmem>>, vector<16xf32>,
        %parallel_loop3A_228 = arith.constant 6240 : i32
        %parallel_loop3A_229 = arith.addi %parallel_loop3A_173, %parallel_loop3A_228 : i32
        %parallel_loop3A_230 = vector.broadcast %parallel_loop3A_229 : i32 to vector<16xi32>
        %parallel_loop3A_231 = arith.addi %mul3A_5, %parallel_loop3A_230 : vector<16xi32>
        %parallel_loop3A_232 = tpu.vector_load_idx %arg7[%parallel_loop3A_231] : memref<33280xf32, #tpu.memory_space<vmem>>[vector<16xi32>], vector<16xf32>,
        %parallel_loop3A_233 = arith.constant 96 : i32
        %parallel_loop3A_234 = arith.addi %parallel_loop3A_168, %parallel_loop3A_233 : i32
        %parallel_loop3A_235 = arith.index_cast %parallel_loop3A_234 : i32 to index
        %parallel_loop3A_236 = tpu.vector_load %arg8[%parallel_loop3A_235] {strides = array<i32>} : memref<32768xf32, #tpu.memory_space<vmem>>, vector<16xf32>,
        tpu.vector_store %arg8[%parallel_loop3A_235], %parallel_loop3A_232 {strides = array<i32>} : memref<32768xf32, #tpu.memory_space<vmem>>, vector<16xf32>,
        %parallel_loop3A_237 = arith.constant 7280 : i32
        %parallel_loop3A_238 = arith.addi %parallel_loop3A_173, %parallel_loop3A_237 : i32
        %parallel_loop3A_239 = vector.broadcast %parallel_loop3A_238 : i32 to vector<16xi32>
        %parallel_loop3A_240 = arith.addi %mul3A_5, %parallel_loop3A_239 : vector<16xi32>
        %parallel_loop3A_241 = tpu.vector_load_idx %arg7[%parallel_loop3A_240] : memref<33280xf32, #tpu.memory_space<vmem>>[vector<16xi32>], vector<16xf32>,
        %parallel_loop3A_242 = arith.constant 112 : i32
        %parallel_loop3A_243 = arith.addi %parallel_loop3A_168, %parallel_loop3A_242 : i32
        %parallel_loop3A_244 = arith.index_cast %parallel_loop3A_243 : i32 to index
        %parallel_loop3A_245 = tpu.vector_load %arg8[%parallel_loop3A_244] {strides = array<i32>} : memref<32768xf32, #tpu.memory_space<vmem>>, vector<16xf32>,
        tpu.vector_store %arg8[%parallel_loop3A_244], %parallel_loop3A_241 {strides = array<i32>} : memref<32768xf32, #tpu.memory_space<vmem>>, vector<16xf32>,
      } {sc.loop_unroll_factor = 8 : i64, sc.parallel_access}
      %add3A_73 = arith.addi %mul3A_2, %scan3A_48 : i32
      %dma_start3A_74 = arith.constant 0 : i32
      %dma_start3A_75 = tpu.memref_slice %arg4[%add3A_73, %dma_start3A_74] : memref<4096x32768xf32, #tpu.memory_space<hbm>> -> memref<1x32768xf32, #tpu.memory_space<hbm>>
      %dma_start3A_76 = tpu.memref_squeeze %dma_start3A_75 : memref<1x32768xf32, #tpu.memory_space<hbm>> -> memref<32768xf32, #tpu.memory_space<hbm>>
      %dma_start3A_77 = arith.constant 0 : i32
      %dma_start3A_78 = tpu.memref_slice %arg4[%add3A_73, %dma_start3A_77] : memref<4096x32768xf32, #tpu.memory_space<hbm>> -> memref<1x32768xf32, #tpu.memory_space<hbm>>
      %dma_start3A_79 = tpu.memref_squeeze %dma_start3A_78 : memref<1x32768xf32, #tpu.memory_space<hbm>> -> memref<32768xf32, #tpu.memory_space<hbm>>
      tpu.enqueue_dma source(%arg8 : memref<32768xf32, #tpu.memory_space<vmem>>) target(%dma_start3A_79 : memref<32768xf32, #tpu.memory_space<hbm>>) target_semaphore(%arg10 : memref<!tpu.dma_semaphore, #tpu.memory_space<semaphore_mem>>)
    }
    %scan3A_38 = arith.constant 127 : i32
    %dma_wait3A_39 = arith.constant 0 : i32
    %dma_wait3A_40 = arith.constant 0 : i32
    %dma_wait3A_41 = tpu.memref_slice %arg3[%dma_wait3A_39, %dma_wait3A_40] : memref<1000000x64xf32, #tpu.memory_space<hbm>> -> memref<1000000x64xf32, #tpu.memory_space<hbm>>
    tpu.wait_indirect_dma semaphore(%arg9 : memref<!tpu.dma_semaphore, #tpu.memory_space<semaphore_mem>>) src(%dma_wait3A_41 : memref<1000000x64xf32, #tpu.memory_space<hbm>>) dst(%arg6 : memref<512x64xf32, #tpu.memory_space<vmem>>)
    %dma_wait3A_42 = arith.constant 0 : i32
    %dma_wait3A_43 = tpu.memref_slice %arg4[%mul3A_2, %dma_wait3A_42] : memref<4096x32768xf32, #tpu.memory_space<hbm>> -> memref<1x32768xf32, #tpu.memory_space<hbm>>
    %dma_wait3A_44 = tpu.memref_squeeze %dma_wait3A_43 : memref<1x32768xf32, #tpu.memory_space<hbm>> -> memref<32768xf32, #tpu.memory_space<hbm>>
    %dma_wait3A_45 = arith.constant 0 : i32
    %dma_wait3A_46 = tpu.memref_slice %arg4[%mul3A_2, %dma_wait3A_45] : memref<4096x32768xf32, #tpu.memory_space<hbm>> -> memref<1x32768xf32, #tpu.memory_space<hbm>>
    %dma_wait3A_47 = tpu.memref_squeeze %dma_wait3A_46 : memref<1x32768xf32, #tpu.memory_space<hbm>> -> memref<32768xf32, #tpu.memory_space<hbm>>
    tpu.wait_dma2 semaphore(%arg10 : memref<!tpu.dma_semaphore, #tpu.memory_space<semaphore_mem>>) src(%arg8 : memref<32768xf32, #tpu.memory_space<vmem>>) dst(%dma_wait3A_47 : memref<32768xf32, #tpu.memory_space<hbm>>)
    return
  }
}

</mosaic_0001>

<sc_bundles>
// kernel: kernel.3.cloned.1.call-start
scs
__scs_entry_jumppad:
0x0: {  	(pc) =	sbr.rel $0x88, $3  }
0x1: {  	(tag) =	ssettag $0x0;
	lr =	simm.s32 $0x1  }
0x2: {  	[smem:$0x3F9F] =	sst lr;
	_ =	strace $0xD0000000  }
0x3: {  	_ = 	snop  }
0x4: {  	_ = 	snop  }
0x5: {  	_ = 	snop  }
0x6: {  	_ = 	snop  }
0x7: {  	_ = 	snop  }
__scs_overlays_trampoline_lowered:
0x8: {  	[smem:$0x3FAE] =	sst s0  }
0x9: {  	[smem:$0x3FAF] =	sst s1  }
0xa: {  	[smem:$0x3FB0] =	sst s2  }
0xb: {  	[smem:$0x3FB1] =	sst s3  }
0xc: {  	[smem:$0x3FB2] =	sst s4  }
0xd: {  	[smem:$0x3FB3] =	sst s5  }
0xe: {  	[smem:$0x3FB4] =	sst s6  }
0xf: {  	[smem:$0x3FB5] =	sst s7  }
0x10: {  	[smem:$0x3FB6] =	sst s8  }
0x11: {  	[smem:$0x3FB7] =	sst s9;
	s0 =	simm.s32 @!p0 $0x0  }
0x12: {  	s1 =	sld [smem:$0x3F9D];
	s0 =	simm.s32 @p0 $0x1  }
0x13: {  	[smem:$0x3FB8] =	sst s0;
	s0 =	simm.s32 @!p1 $0x0  }
0x14: {  	s2 =	sld [smem:$0x3F9C];
	s0 =	simm.s32 @p1 $0x1  }
0x15: {  	[smem:$0x3FB9] =	sst s0;
	s0 =	simm.s32 @!p2 $0x0  }
0x16: {  	s3 =	sld [smem:$0x3FDB];
	s0 =	simm.s32 @p2 $0x1  }
0x17: {  	s4 =	simm.s32 $0x1BF5;
	[smem:$0x3FBB] =	sst s0  }
0x18: {  	s0 =	sld [smem:$0x3F9E];
	_ =	swait.ge [sflag:s4], $0x0  }
0x19: {  	s7 =	sld [smem:$0x3F9F]  }
0x1a: {  	s8 =	sadd.s32 $0xFFFFE003, lr  }
0x1b: {  	s9 =	sadd.s32 $0xFFFFFEF7, lr;
	s5 =	simm.s32 $0xFFFFFFFF;
	p2 =	slt.u32 s8, $0xFFFFF086  }
0x1c: {  	p1 =	slt.u32 s9, $0xF7A;
	s5 =	simm.s32 @!p2 $0x0  }
0x1d: {  	s5 =	simm.s32 @p1 $0x1;
	p0 =	seq.s32 s7, s2  }
0x1e: {  	s7 =	smul.u32 @!p0 $0xF7A, s2;
	p2 =	seq.s32 @!p0 s5, $0x0  }
0x1f: {  	s9 =	smul.u32 $0xF7A, s1;
	s8 =	simm.s32 @!p0 $0x1BF5;
	p2 =	por !p2, p0  }
0x20: {  	[sflag:s8] =	ssyncset.s32 @!p0 $0xFFFFF086;
	s6 =	sadd.s32 @!p0 s3, s7;
	s7 =	simm.s32 @!p0 $0x108  }
0x21: {  	s3 =	sadd.s32 s3, s9;
	s6 =	sadd.s32 @!p0 $0x88, s6;
	s7 =	simm.s32 @p2 $0x1082  }
0x22: {  	[simem:s7], [sflag:s8] =	dma.local @!p0 [hbm:s6], $0xF7A  }
0x23: {  	s9 =	sor.u32 $0xD0000000, s2;
	s6 =	simm.s32 $0x108;
	_ =	swait.ge @!p0 [sflag:s8], $0x0  }
0x24: {  	s3 =	sadd.s32 $0x88, s3;
	s6 =	simm.s32 @!p1 $0x1082;
	[sflag:s4] =	ssyncset.s32 $0xFFFFF086  }
0x25: {  	[simem:s6], [sflag:s4] =	dma.local [hbm:s3], $0xF7A  }
0x26: {  	[smem:$0x3F9F] =	sst s1;
	(tag) =	ssettag s2;
	_ =	strace s9  }
0x27: {  	s1 =	sld [smem:$0x3FAF]  }
0x28: {  	s2 =	sld [smem:$0x3FB0]  }
0x29: {  	s4 =	sld [smem:$0x3FB2]  }
0x2a: {  	p0 =	seq.s32 s5, $0x0;
	s5 =	sld [smem:$0x3FB3]  }
0x2b: {  	s6 =	sld [smem:$0x3FB4]  }
0x2c: {  	s7 =	sld [smem:$0x3FB5]  }
0x2d: {  	s3 =	simm.s32 $0x108;
	s8 =	sld [smem:$0x3FB6]  }
0x2e: {  	s3 =	simm.s32 @!p0 $0x1082;
	s9 =	sld [smem:$0x3FB7]  }
0x2f: {  	lr =	sadd.s32 s0, s3;
	s0 =	sld [smem:$0x3FAE]  }
0x30: {  	s3 =	sld [smem:$0x3FB1]  }
0x31: {  	[smem:$0x3FBA] =	sst s10  }
0x32: {  	s10 =	sld [smem:$0x3FB8];
	_ =	sdelay $0x3  }
0x33: {  	p0 =	seq.s32 s10, $0x1;
	s10 =	sld [smem:$0x3FBA];
	_ =	sdelay $0x3  }
0x34: {  	[smem:$0x3FBA] =	sst s10  }
0x35: {  	s10 =	sld [smem:$0x3FB9];
	_ =	sdelay $0x3  }
0x36: {  	p1 =	seq.s32 s10, $0x1;
	s10 =	sld [smem:$0x3FBA];
	_ =	sdelay $0x3  }
0x37: {  	[smem:$0x3FBA] =	sst s10  }
0x38: {  	s10 =	sld [smem:$0x3FBB]  }
0x39: {  	_ = 	snop;
	(pc) =	sbr.ind lr, $3  }
0x3a: {  	_ = 	snop  }
0x3b: {  	_ = 	snop  }
0x3c: {  	p2 =	seq.s32 s10, $0x1;
	s10 =	sld [smem:$0x3FBA]  }
0x3d: {  	_ =	shalt  }
0x3e: {  	_ =	shalt  }
0x3f: {  	_ =	shalt  }
0x40: {  	_ =	shalt  }
0x41: {  	_ =	shalt  }
0x42: {  	_ =	shalt  }
0x43: {  	_ =	shalt  }
0x44: {  	_ =	shalt  }
0x45: {  	_ =	shalt  }
0x46: {  	_ =	shalt  }
0x47: {  	_ =	shalt  }
0x48: {  	_ =	shalt  }
0x49: {  	_ =	shalt  }
0x4a: {  	_ =	shalt  }
0x4b: {  	_ =	shalt  }
0x4c: {  	_ =	shalt  }
0x4d: {  	_ =	shalt  }
0x4e: {  	_ =	shalt  }
0x4f: {  	_ =	shalt  }
0x50: {  	_ =	shalt  }
0x51: {  	_ =	shalt  }
0x52: {  	_ =	shalt  }
0x53: {  	_ =	shalt  }
0x54: {  	_ =	shalt  }
0x55: {  	_ =	shalt  }
0x56: {  	_ =	shalt  }
0x57: {  	_ =	shalt  }
0x58: {  	_ =	shalt  }
0x59: {  	_ =	shalt  }
0x5a: {  	_ =	shalt  }
0x5b: {  	_ =	shalt  }
0x5c: {  	_ =	shalt  }
0x5d: {  	_ =	shalt  }
0x5e: {  	_ =	shalt  }
0x5f: {  	_ =	shalt  }
0x60: {  	_ =	shalt  }
0x61: {  	_ =	shalt  }
0x62: {  	_ =	shalt  }
0x63: {  	_ =	shalt  }
0x64: {  	_ =	shalt  }
0x65: {  	_ =	shalt  }
0x66: {  	_ =	shalt  }
0x67: {  	_ =	shalt  }
0x68: {  	_ =	shalt  }
0x69: {  	_ =	shalt  }
0x6a: {  	_ =	shalt  }
0x6b: {  	_ =	shalt  }
0x6c: {  	_ =	shalt  }
0x6d: {  	_ =	shalt  }
0x6e: {  	_ =	shalt  }
0x6f: {  	_ =	shalt  }
0x70: {  	_ =	shalt  }
0x71: {  	_ =	shalt  }
0x72: {  	_ =	shalt  }
0x73: {  	_ =	shalt  }
0x74: {  	_ =	shalt  }
0x75: {  	_ =	shalt  }
0x76: {  	_ =	shalt  }
0x77: {  	_ =	shalt  }
0x78: {  	_ =	shalt  }
0x79: {  	_ =	shalt  }
0x7a: {  	_ =	shalt  }
0x7b: {  	_ =	shalt  }
0x7c: {  	_ =	shalt  }
0x7d: {  	_ =	shalt  }
0x7e: {  	_ =	shalt  }
0x7f: {  	_ =	shalt  }
0x80: {  	_ =	shalt  }
0x81: {  	_ =	shalt  }
0x82: {  	_ =	shalt  }
0x83: {  	_ =	shalt  }
0x84: {  	_ =	shalt  }
0x85: {  	_ =	shalt  }
0x86: {  	_ =	shalt  }
0x87: {  	_ =	shalt  }
.Lfunc_end0:
.L_simem_size_0:
called_computation_lowered:
.L_overlay_start_0:
0x88: {  	s2 =	sld [smem:$0x3FD9]  }
0x89: {  	s3 =	sld [smem:$0x3FFE];
	_ =	sdelay $0x1  }
0x8a: {  	s1 =	srdreg.scid  }
0x8b: {  	s0 =	sand.u32 $0x1, s1  }
0x8c: {  	s17 =	sshll.u32 s0, $0xA;
	s2 =	sadd.s32 s3, s2  }
0x8d: {  	s2 =	sadd.s32 s2, s17  }
0x8e: {  	[smem:$0x3FC6] =	sst s2  }
0x8f: {  	_ = 	snop  }
0x90: {  	s2 =	sld [smem:$0x3FD0];
	(tm) =	ssettm $0x1  }
0x91: {  	s18 =	sld [smem:$0x3FFB];
	_ =	sdelay $0x3  }
0x92: {  	_ =	strace s18  }
0x93: {  	s3 =	sld [smem:$0x3FFC];
	_ =	sdelay $0x3  }
0x94: {  	_ =	strace s3  }
0x95: {  	s3 =	sld [smem:$0x3FFD];
	_ =	sdelay $0x3  }
0x96: {  	_ =	strace s3  }
0x97: {  	_ =	strace $0x8FFFFFFF  }
0x98: {  	s19 =	sld [smem:$0x3FDB];
	_ =	sdelay $0x1  }
0x99: {  	s4 =	simm.s32 $_scs_section_size  }
0x9a: {  	s5 =	simm.s32 $_size__tile_overlayer_lowered;
	s6 =	simm.s32 $_tile_overlayer_lowered  }
0x9b: {  	s22 =	simm.s32 $0x1BFF;
	s21 =	sshll.u32 s6, $0x1;
	s3 =	sadd.s32 s4, s19  }
0x9c: {  	s7 =	simm.s32 $0x0;
	s20 =	sshll.u32 s5, $0x1;
	s5 =	sadd.s32 s21, s3  }
0x9d: {  	[timem:s7], [sflag:s22] =	dma.local [hbm:s5], s20  }
0x9e: {  	_ =	swait.ge [sflag:s22], s20  }
0x9f: {  	s4 =	ssub.s32 $0x0, s20;
	[sflag:s22] =	ssyncset.done $0x0  }
0xa0: {  	[sflag:s22] =	ssyncadd.s32 s4;
	_ =	sdelay $0x1  }
0xa1: {  	s23 =	simm.s32 $0x1B8B  }
0xa2: {  	_ =	swait.ge [sflag:s23], $0x1  }
0xa3: {  	[sflag:s23] =	ssyncset.done $0x0  }
0xa4: {  	s25 =	simm.s32 $0x1B8E;
	s24 =	sld [smem:$0x3FFE];
	[sflag:s23] =	ssyncadd.s32 $0xFFFFFFFF  }
0xa5: {  	s26 =	simm.s32 $execute0_lowered;
	[smem:$0x3FD2] =	sst s25  }
0xa6: {  	s5 =	sshll.u32 s26, $0x1;
	_ =	strace $0x80000046;
	[dreg:$0x1] =	wrdreg $0xFFFFFFFF  }
0xa7: {  	s28 =	simm.s32 $_size_execute0_lowered;
	s3 =	sadd.s32 s3, s5;
	[dreg:$0x0] =	wrdreg $0x0  }
0xa8: {  	s5 =	sshll.u32 s28, $0x1;
	[dreg:$0x2] =	wrdreg s3  }
0xa9: {  	[dreg:$0x3] =	wrdreg s5  }
0xaa: {  	[dreg:$0x4] =	wrdreg $0xC0  }
0xab: {  	_ =	task [dreg:s7], $0x5FFFF  }
0xac: {  	[dreg:$0x1] =	wrdreg $0xFFFFFFFF  }
0xad: {  	[dreg:$0x0] =	wrdreg $0x60  }
0xae: {  	[dreg:$0x2] =	wrdreg s24  }
0xaf: {  	[dreg:$0x3] =	wrdreg s2  }
0xb0: {  	[dreg:$0x4] =	wrdreg $0x9  }
0xb1: {  	_ =	task.clear_ibuf [dreg:s7], $0x5FFFF;
	_ =	strace $0x90000046  }
0xb2: {  	s29 =	simm.s32 $0x9;
	_ =	strace $0x80000048  }
0xb3: {  	_ =	swait.ge [sflag:s29], $0x1  }
0xb4: {  	[sflag:s29] =	ssyncadd.s32 $0xFFFFFFFF  }
0xb5: {  	_ =	strace $0x90000048  }
0xb6: {  	_ =	sfence  }
0xb7: {  	s30 =	sld [smem:$0x0];
	_ =	sdelay $0x2  }
0xb8: {  	s31 =	sshll.u32 s1, $0xD;
	s1 =	sshrl.u32 s1, $0x2  }
0xb9: {  	s3 =	sand.u32 $0x4000, s31;
	s1 =	sadd.s32 s1, s30  }
0xba: {  	s0 =	sor.u32 s3, s0;
	s1 =	sshll.u32 s1, $0x11  }
0xbb: {  	s0 =	sor.u32 s1, s0  }
0xbc: {  	s0 =	sadd.s32 $0x8F2B, s0  }
0xbd: {  	[sflag:s0] =	ssyncadd.remote.s32 $0x1  }
0xbe: {  	_ =	sfence.sel $0xFFFF  }
0xbf: {  	[dreg:$0x0] =	wrdreg $0xFFFFFFFF;
	(pc) =	sbr.abs _section_cstart, $3  }
0xc0: {  	[dreg:$0x1] =	wrdreg $0xFFFFFFFF  }
0xc1: {  	_ =	task.clear_ibuf [dreg:s7], $0x2FFFF;
	_ =	strace $0x9FFFFFFF  }
0xc2: {  	(tm) =	ssettm $0x7FFFFFFF  }
0xc3: {  	_ =	shalt  }
tec
execute0_lowered:
.L_overlay_start_1:
0x0: {  	(tag) =	ssettag $0x1  }
0x1: {  	s0 =	rddreg [dreg:$0x0]  }
0x2: {  	s5 =	rddreg [dreg:$0x1]  }
0x3: {  	s3 =	simm.s32 $0x0;
	s1 =	srdreg.scid;
	s2 =	stileid.u32  }
0x4: {  	[smem:$0x7FF] =	sst s3;
	s1 =	sand.u32 $0x1, s1;
	s2 =	sshll.u32 s2, $0x1  }
0x5: {  	s6 =	sadd.s32 $0x400, s0;
	s0 =	sadd.s32 $0x40400, s0;
	_ =	strace $0x80000047  }
0x6: {  	s26 =	ssub.s32 $0x2, s1;
	s1 =	sor.u32 s1, s2;
	[smem:$0x7F7] =	sst s0  }
0x7: {  	[smem:$0x7F8] =	sst s6;
	s4 =	sshll.u32 s1, $0xD;
	s31 =	sshll.u32 s1, $0x7  }
0x8: {  	s1 =	sshll.u32 s1, $0x13;
	s30 =	sadd.s32 s6, s4;
	[smem:$0x7F9] =	sst s31  }
0x9: {  	s28 =	sshrl.u32 s26, $0x1;
	s1 =	sadd.s32 s5, s1;
	[smem:$0x7FA] =	sst s30  }
0xa: {  	s29 =	ssub.s32 s26, s28;
	s2 =	sadd.s32 $0x40, s30;
	[smem:$0x7FC] =	sst s1  }
0xb: {  	v1 =	vlaneseq.u32;
	s14 =	simm.s32 $0x8200;
	s0 =	smax.u32 s29, $0x1;
	[smem:$0x7FB] =	sst s2  }
0xc: {  	s3 =	simm.s32 $0x1;
	v0 =	vmul.u32 $0x41, v1;
	v1 =	vand.u32 $0x7, v1;
	[smem:$0x7FD] =	sst s0;
	s2 =	simm.s32 $0x0  }
.LBB2_1:
0xd: {  	s1 =	sld [smem:$0x7FA];
	_ =	sdelay $0x1  }
0xe: {  	[smem:$0x7F6] =	sst s2;
	s0 =	simm.s32 $0x0;
	s28 =	simm.s32 $0x3  }
0xf: {  	[tilespmem:s0], [sflag:$0x3] =	stream.linear.gather [hbm4b:s1+s0], $0x200, $0x38;
	[tilespmem:$0x18400] =	vst v63  }
0x10: {  	_ =	swait.ge [sflag:s28], $0x200  }
0x11: {  	s29 =	sld [smem:$0x7F7]  }
0x12: {  	[sflag:s28] =	ssyncset.done $0x0  }
0x13: {  	s30 =	simm.s32 $0x200;
	[sflag:s28] =	ssyncadd.s32 $0xFFFFFE00  }
0x14: {  	[tilespmem:s30], [sflag:$0x1] =	stream.indirect.gather [hbm4b:s29+s30], $0x40, s0, s30, $0xb8;
	[tilespmem:$0x18400] =	vst v63  }
0x15: {  	_ =	swait.ge [sflag:s3], $0x8000  }
0x16: {  	[sflag:s3] =	ssyncset.done $0x0  }
0x17: {  	s31 =	simm.s32 $0x300;
	[sflag:s3] =	ssyncadd.s32 $0xFFFF8000  }
0x18: {  	v2 =	vld [tilespmem:s31+$0xC0]  }
0x19: {  	v3 =	vld [tilespmem:s31+$0xFFFFFF40]  }
0x1a: {  	v4 =	vld [tilespmem:s31+$0xFFFFFF80]  }
0x1b: {  	v5 =	vld [tilespmem:s31+$0xFFFFFFC0]  }
0x1c: {  	s0 =	simm.s32 $0x8304;
	v6 =	vld [tilespmem:s31+$0x0]  }
0x1d: {  	v7 =	vld [tilespmem:s31+$0x40];
	[tilespmem:s0+$0xC3] =	vst v2  }
0x1e: {  	[tilespmem:s0+$0xFFFFFF3D] =	vst v3;
	v3 =	vld [tilespmem:s31+$0x80]  }
0x1f: {  	[tilespmem:s0+$0xFFFFFF7E] =	vst v4;
	v4 =	vld [tilespmem:s31+$0xFFFFFF00]  }
0x20: {  	[tilespmem:s0+$0xFFFFFFBF] =	vst v5;
	v2 =	vld [tilespmem:s31+$0xD0]  }
0x21: {  	[tilespmem:s0+$0x0] =	vst v6;
	v5 =	vld [tilespmem:s31+$0xFFFFFF50]  }
0x22: {  	[tilespmem:s0+$0x41] =	vst v7;
	v6 =	vld [tilespmem:s31+$0xFFFFFF90]  }
0x23: {  	v7 =	vld [tilespmem:s31+$0xFFFFFFD0];
	[tilespmem:s0+$0x82] =	vst v3  }
0x24: {  	[tilespmem:s0+$0xFFFFFEFC] =	vst v4;
	v3 =	vld [tilespmem:s31+$0x10]  }
0x25: {  	[tilespmem:s0+$0xD3] =	vst v2;
	v4 =	vld [tilespmem:s31+$0xFFFFFF10]  }
0x26: {  	[tilespmem:s0+$0xFFFFFF4D] =	vst v5;
	v5 =	vld [tilespmem:s31+$0x50]  }
0x27: {  	[tilespmem:s0+$0xFFFFFF8E] =	vst v6;
	v6 =	vld [tilespmem:s31+$0x90]  }
0x28: {  	[tilespmem:s0+$0xFFFFFFCF] =	vst v7;
	v2 =	vld [tilespmem:s31+$0xE0]  }
0x29: {  	v7 =	vld [tilespmem:s31+$0xFFFFFF60];
	[tilespmem:s0+$0x10] =	vst v3  }
0x2a: {  	v3 =	vld [tilespmem:s31+$0xFFFFFFA0];
	[tilespmem:s0+$0xFFFFFF0C] =	vst v4  }
0x2b: {  	[tilespmem:s0+$0x51] =	vst v5;
	v5 =	vld [tilespmem:s31+$0xFFFFFFE0]  }
0x2c: {  	[tilespmem:s0+$0x92] =	vst v6;
	v4 =	vld [tilespmem:s31+$0xFFFFFF20]  }
0x2d: {  	v6 =	vld [tilespmem:s31+$0x20];
	[tilespmem:s0+$0xE3] =	vst v2  }
0x2e: {  	[tilespmem:s0+$0xFFFFFF5D] =	vst v7;
	v2 =	vld [tilespmem:s31+$0xF0]  }
0x2f: {  	v7 =	vld [tilespmem:s31+$0x60];
	[tilespmem:s0+$0xFFFFFF9E] =	vst v3  }
0x30: {  	v8 =	vld [tilespmem:s31+$0xA0];
	[tilespmem:s0+$0xFFFFFFDF] =	vst v5  }
0x31: {  	v9 =	vld [tilespmem:s31+$0xFFFFFF70];
	[tilespmem:s0+$0xFFFFFF1C] =	vst v4  }
0x32: {  	[tilespmem:s0+$0x20] =	vst v6;
	v10 =	vld [tilespmem:s31+$0xFFFFFF30]  }
0x33: {  	[tilespmem:s0+$0xF3] =	vst v2;
	v2 =	vld [tilespmem:s31+$0xFFFFFFB0]  }
0x34: {  	v3 =	vld [tilespmem:s31+$0xFFFFFFF0];
	[tilespmem:s0+$0x61] =	vst v7  }
0x35: {  	v4 =	vld [tilespmem:s31+$0x30];
	[tilespmem:s0+$0xA2] =	vst v8  }
0x36: {  	[tilespmem:s0+$0xFFFFFF6D] =	vst v9;
	v5 =	vld [tilespmem:s31+$0x70]  }
0x37: {  	s2 =	simm.s32 $0x500;
	s1 =	simm.s32 $0x0;
	v6 =	vld [tilespmem:s31+$0xB0];
	[tilespmem:s0+$0xFFFFFF2C] =	vst v10  }
.LBB2_2:
0x38: {  	v7 =	vld [tilespmem:s2+$0xC0];
	s1 =	sadd.s32 $0x8, s1;
	[tilespmem:s0+$0xFFFFFFAE] =	vst v2  }
0x39: {  	v2 =	vld [tilespmem:s2+$0xFFFFFF40];
	p0 =	slt.u32 s1, $0x1F8;
	[tilespmem:s0+$0xFFFFFFEF] =	vst v3  }
0x3a: {  	v3 =	vld [tilespmem:s2+$0xFFFFFF80];
	[tilespmem:s0+$0x30] =	vst v4  }
0x3b: {  	v4 =	vld [tilespmem:s2+$0xFFFFFFC0];
	[tilespmem:s0+$0x71] =	vst v5  }
0x3c: {  	v5 =	vld [tilespmem:s2+$0x0];
	[tilespmem:s0+$0xB2] =	vst v6;
	s0 =	sadd.s32 $0x208, s0  }
0x3d: {  	v6 =	vld [tilespmem:s2+$0x40];
	[tilespmem:s0+$0xC3] =	vst v7  }
0x3e: {  	[tilespmem:s0+$0xFFFFFF3D] =	vst v2;
	v2 =	vld [tilespmem:s2+$0xD0]  }
0x3f: {  	[tilespmem:s0+$0xFFFFFF7E] =	vst v3;
	v3 =	vld [tilespmem:s2+$0x80]  }
0x40: {  	v7 =	vld [tilespmem:s2+$0xFFFFFF00];
	[tilespmem:s0+$0xFFFFFFBF] =	vst v4  }
0x41: {  	v4 =	vld [tilespmem:s2+$0xFFFFFF50];
	[tilespmem:s0+$0x0] =	vst v5  }
0x42: {  	v5 =	vld [tilespmem:s2+$0xFFFFFF90];
	[tilespmem:s0+$0x41] =	vst v6  }
0x43: {  	v6 =	vld [tilespmem:s2+$0xFFFFFFD0];
	[tilespmem:s0+$0xD3] =	vst v2  }
0x44: {  	[tilespmem:s0+$0x82] =	vst v3;
	v2 =	vld [tilespmem:s2+$0xE0]  }
0x45: {  	[tilespmem:s0+$0xFFFFFEFC] =	vst v7;
	v3 =	vld [tilespmem:s2+$0x10]  }
0x46: {  	v7 =	vld [tilespmem:s2+$0xFFFFFF10];
	[tilespmem:s0+$0xFFFFFF4D] =	vst v4  }
0x47: {  	[tilespmem:s0+$0xFFFFFF8E] =	vst v5;
	v4 =	vld [tilespmem:s2+$0x50]  }
0x48: {  	[tilespmem:s0+$0xFFFFFFCF] =	vst v6;
	v5 =	vld [tilespmem:s2+$0x90]  }
0x49: {  	v6 =	vld [tilespmem:s2+$0xFFFFFF60];
	[tilespmem:s0+$0xE3] =	vst v2  }
0x4a: {  	[tilespmem:s0+$0x10] =	vst v3;
	v2 =	vld [tilespmem:s2+$0xF0]  }
0x4b: {  	[tilespmem:s0+$0xFFFFFF0C] =	vst v7;
	v3 =	vld [tilespmem:s2+$0xFFFFFFA0]  }
0x4c: {  	v7 =	vld [tilespmem:s2+$0xFFFFFF20];
	[tilespmem:s0+$0x51] =	vst v4  }
0x4d: {  	v4 =	vld [tilespmem:s2+$0xFFFFFFE0];
	[tilespmem:s0+$0x92] =	vst v5  }
0x4e: {  	[tilespmem:s0+$0xFFFFFF5D] =	vst v6;
	v5 =	vld [tilespmem:s2+$0x20]  }
0x4f: {  	v6 =	vld [tilespmem:s2+$0x60];
	[tilespmem:s0+$0xF3] =	vst v2  }
0x50: {  	[tilespmem:s0+$0xFFFFFF9E] =	vst v3;
	v8 =	vld [tilespmem:s2+$0xA0]  }
0x51: {  	[tilespmem:s0+$0xFFFFFF1C] =	vst v7;
	v7 =	vld [tilespmem:s2+$0xFFFFFF70]  }
0x52: {  	v9 =	vld [tilespmem:s2+$0xFFFFFF30];
	[tilespmem:s0+$0xFFFFFFDF] =	vst v4  }
.Ltmp0:
0x53: {  	v2 =	vld [tilespmem:s2+$0xFFFFFFB0];
	[tilespmem:s0+$0x20] =	vst v5;
	(pc) =	sbr.rel @p0 .LBB2_2-.Ltmp0, $4  }
0x54: {  	v3 =	vld [tilespmem:s2+$0xFFFFFFF0];
	[tilespmem:s0+$0x61] =	vst v6  }
0x55: {  	v4 =	vld [tilespmem:s2+$0x30];
	[tilespmem:s0+$0xA2] =	vst v8  }
0x56: {  	[tilespmem:s0+$0xFFFFFF6D] =	vst v7;
	v5 =	vld [tilespmem:s2+$0x70]  }
0x57: {  	[tilespmem:s0+$0xFFFFFF2C] =	vst v9;
	v6 =	vld [tilespmem:s2+$0xB0];
	s2 =	sadd.s32 $0x200, s2  }
0x58: {  	[tilespmem:s0+$0xFFFFFFAE] =	vst v2  }
0x59: {  	[tilespmem:s0+$0xFFFFFFEF] =	vst v3  }
0x5a: {  	[tilespmem:s0+$0x30] =	vst v4  }
0x5b: {  	[tilespmem:s0+$0x71] =	vst v5  }
0x5c: {  	[tilespmem:s0+$0xB2] =	vst v6  }
0x5d: {  	s1 =	sld [smem:$0x7FB];
	_ =	sdelay $0x1  }
0x5e: {  	s26 =	simm.s32 $0x0;
	s5 =	simm.s32 $0x0  }
0x5f: {  	[tilespmem:s26], [sflag:$0x3] =	stream.linear.gather [hbm4b:s1+s26], $0x200, $0x38;
	[tilespmem:$0x18400] =	vst v63  }
0x60: {  	s2 =	simm.s32 $0x0;
	s1 =	smul.u32 $0x2080, s5  }
0x61: {  	s3 =	sand.u32 $0x38, s2  }
0x62: {  	s2 =	sor.u32 s3, s1  }
0x63: {  	s4 =	simm.s32 $0x3;
	s1 =	sor.u32 $0x5, s2  }
0x64: {  	_ =	swait.ge [sflag:s4], $0x200;
	s6 =	sor.u32 $0x7, s2;
	v2 =	vadd.s32 s1, v0  }
0x65: {  	s7 =	sld [smem:$0x7F7];
	s8 =	sor.u32 $0x2, s2;
	v4 =	vadd.s32 s6, v0  }
0x66: {  	s5 =	simm.s32 $0x200;
	[sflag:s4] =	ssyncset.done $0x0;
	s9 =	sor.u32 $0x1, s2;
	v5 =	vadd.s32 s8, v0  }
0x67: {  	[sflag:s4] =	ssyncadd.s32 $0xFFFFFE00;
	s12 =	sor.u32 $0x3, s2;
	s17 =	sor.u32 $0x4, s2;
	v6 =	vadd.s32 s9, v0  }
0x68: {  	v3 =	vadd.s32 s2, v0;
	v8 =	vadd.s32 s12, v0;
	[tilespmem:s5], [sflag:$0x1] =	stream.indirect.gather [hbm4b:s7+s5], $0x40, s26, s5, $0xb8;
	[tilespmem:$0x18400] =	vst v63  }
0x69: {  	v3 =	vand.u32 $0x7FFFFFF8, v3;
	v11 =	vadd.s32 s17, v0;
	v2 =	vld.idx.msk [tilespmem:v2+s14+$0x0], $0xffff  }
0x6a: {  	s10 =	sadd.s32 $0x415, s2;
	v3 =	vor.u32 v1, v3;
	v4 =	vld.idx.msk [tilespmem:v4+s14+$0x0], $0xffff  }
0x6b: {  	s11 =	simm.s32 $0x0;
	s15 =	sadd.s32 $0x417, s2;
	v7 =	vadd.s32 s10, v0;
	v5 =	vld.idx.msk [tilespmem:v5+s14+$0x0], $0xffff  }
0x6c: {  	s13 =	sand.u32 $0x3FFFFC00, s11;
	s16 =	sor.u32 $0x6, s2;
	v9 =	vadd.s32 s15, v0;
	v6 =	vld.idx.msk [tilespmem:v6+s14+$0x0], $0xffff  }
0x6d: {  	s0 =	sand.u32 $0x7000, s26;
	s20 =	sadd.s32 $0x411, s2;
	s1 =	sadd.s32 $0x10400, s13;
	v10 =	vadd.s32 s16, v0;
	v8 =	vld.idx.msk [tilespmem:v8+s14+$0x0], $0xffff  }
0x6e: {  	s25 =	sadd.s32 $0x413, s2;
	v12 =	vadd.s32 s20, v0;
	s18 =	sadd.s32 s0, s1;
	v11 =	vld.idx.msk [tilespmem:v11+s14+$0x0], $0xffff  }
0x6f: {  	s6 =	sadd.s32 $0x414, s2;
	v14 =	vadd.s32 s25, v0;
	v3 =	vld.idx.msk [tilespmem:v3+s14+$0x0], $0xffff;
	[tilespmem:s18+$0x280] =	vst v2  }
0x70: {  	s23 =	sadd.s32 $0x412, s2;
	v15 =	vadd.s32 s6, v0;
	[tilespmem:s18+$0x380] =	vst v4;
	v7 =	vld.idx.msk [tilespmem:v7+s14+$0x0], $0xffff  }
0x71: {  	s19 =	sadd.s32 $0x410, s2;
	s21 =	sadd.s32 $0x825, s2;
	[tilespmem:s18+$0x80] =	vst v6;
	v6 =	vadd.s32 s23, v0;
	v4 =	vld.idx.msk [tilespmem:v9+s14+$0x0], $0xffff  }
0x72: {  	s22 =	sadd.s32 $0x827, s2;
	v13 =	vadd.s32 s21, v0;
	v2 =	vadd.s32 s19, v0;
	[tilespmem:s18+$0x100] =	vst v5;
	v9 =	vld.idx.msk [tilespmem:v10+s14+$0x0], $0xffff  }
0x73: {  	s24 =	sshll.u32 s3, $0x9;
	[tilespmem:s18+$0x180] =	vst v8;
	v2 =	vand.u32 $0x7FFFFFF8, v2;
	v10 =	vadd.s32 s22, v0;
	v12 =	vld.idx.msk [tilespmem:v12+s14+$0x0], $0xffff  }
0x74: {  	s3 =	sadd.s32 $0xC37, s2;
	s4 =	sadd.s32 $0x822, s2;
	s24 =	sadd.s32 s24, s1;
	[tilespmem:s18+$0x200] =	vst v11;
	v8 =	vld.idx.msk [tilespmem:v14+s14+$0x0], $0xffff;
	v2 =	vor.u32 v1, v2  }
0x75: {  	s9 =	sadd.s32 $0xC30, s2;
	s26 =	sadd.s32 $0x820, s2;
	s7 =	sadd.s32 $0x823, s2;
	[tilespmem:s24+$0x0] =	vst v3;
	v14 =	vld.idx.msk [tilespmem:v15+s14+$0x0], $0xffff  }
0x76: {  	s5 =	smov.u32 s2;
	s1 =	sadd.s32 $0xC35, s2;
	s2 =	sadd.s32 $0x416, s2;
	v11 =	vadd.s32 s7, v0;
	v6 =	vld.idx.msk [tilespmem:v6+s14+$0x0], $0xffff;
	[tilespmem:s18+$0x290] =	vst v7  }
0x77: {  	s6 =	simm.s32 $0x0;
	v15 =	vadd.s32 s2, v0;
	[tilespmem:s18+$0x390] =	vst v4;
	v3 =	vld.idx.msk [tilespmem:v13+s14+$0x0], $0xffff  }
0x78: {  	s20 =	simm.s32 $0x8;
	s8 =	smul.u32 $0x2080, s6;
	v7 =	vadd.s32 s26, v0;
	v5 =	vld.idx.msk [tilespmem:v10+s14+$0x0], $0xffff;
	v10 =	vadd.s32 s4, v0  }
0x79: {  	s0 =	sand.u32 $0x38, s20;
	[tilespmem:s18+$0x190] =	vst v8;
	v7 =	vand.u32 $0x7FFFFFF8, v7;
	v13 =	vadd.s32 s1, v0;
	v2 =	vld.idx.msk [tilespmem:v2+s14+$0x0], $0xffff  }
0x7a: {  	s31 =	sor.u32 s0, s8;
	[tilespmem:s18+$0x300] =	vst v9;
	v4 =	vor.u32 v1, v7  }
0x7b: {  	[tilespmem:s18+$0x90] =	vst v12;
	s1 =	sor.u32 $0x2, s31;
	v8 =	vld.idx.msk [tilespmem:v11+s14+$0x0], $0xffff;
	v7 =	vadd.s32 s3, v0  }
0x7c: {  	s12 =	sadd.s32 $0x826, s5;
	v11 =	vld.idx.msk [tilespmem:v15+s14+$0x0], $0xffff;
	v9 =	vadd.s32 s1, v0;
	[tilespmem:s18+$0x110] =	vst v6  }
0x7d: {  	s11 =	sadd.s32 $0xC33, s5;
	v12 =	vadd.s32 s12, v0;
	[tilespmem:s18+$0x2A0] =	vst v3;
	v6 =	vld.idx.msk [tilespmem:v10+s14+$0x0], $0xffff  }
0x7e: {  	s10 =	sadd.s32 $0x821, s5;
	v3 =	vadd.s32 s9, v0;
	[tilespmem:s24+$0x10] =	vst v2;
	v10 =	vadd.s32 s11, v0;
	v13 =	vld.idx.msk [tilespmem:v13+s14+$0x0], $0xffff  }
0x7f: {  	s16 =	sor.u32 $0x6, s31;
	[tilespmem:s18+$0x3A0] =	vst v5;
	v2 =	vand.u32 $0x7FFFFFF8, v3;
	v3 =	vadd.s32 s10, v0;
	v4 =	vld.idx.msk [tilespmem:v4+s14+$0x0], $0xffff  }
0x80: {  	v16 =	vadd.s32 s16, v0;
	[tilespmem:s18+$0x1A0] =	vst v8;
	v7 =	vld.idx.msk [tilespmem:v7+s14+$0x0], $0xffff  }
0x81: {  	s15 =	sor.u32 $0x5, s31;
	v5 =	vadd.s32 s31, v0;
	[tilespmem:s18+$0x310] =	vst v11;
	v8 =	vld.idx.msk [tilespmem:v9+s14+$0x0], $0xffff;
	v2 =	vor.u32 v1, v2  }
0x82: {  	v15 =	vadd.s32 s15, v0;
	v5 =	vand.u32 $0x7FFFFFF8, v5;
	v12 =	vld.idx.msk [tilespmem:v12+s14+$0x0], $0xffff  }
0x83: {  	s17 =	sor.u32 $0x4, s31;
	v5 =	vor.u32 v1, v5;
	v10 =	vld.idx.msk [tilespmem:v10+s14+$0x0], $0xffff  }
0x84: {  	s13 =	sor.u32 $0x3, s31;
	v9 =	vadd.s32 s17, v0;
	[tilespmem:s18+$0x120] =	vst v6;
	v3 =	vld.idx.msk [tilespmem:v3+s14+$0x0], $0xffff  }
0x85: {  	v6 =	vld.idx.msk [tilespmem:v16+s14+$0x0], $0xffff;
	[tilespmem:s24+$0x20] =	vst v4;
	v4 =	vadd.s32 s13, v0  }
0x86: {  	v2 =	vld.idx.msk [tilespmem:v2+s14+$0x0], $0xffff  }
0x87: {  	s19 =	sor.u32 $0x1, s31;
	[tilespmem:s18+$0x3B0] =	vst v7;
	v7 =	vld.idx.msk [tilespmem:v15+s14+$0x0], $0xffff  }
0x88: {  	s21 =	sadd.s32 $0xC32, s5;
	s25 =	sadd.s32 $0x1045, s5;
	v11 =	vadd.s32 s19, v0;
	[tilespmem:s18+$0x2B0] =	vst v13;
	v5 =	vld.idx.msk [tilespmem:v5+s14+$0x0], $0xffff  }
0x89: {  	s8 =	simm.s32 $0x1000;
	s0 =	sshll.u32 s0, $0x9;
	s26 =	simm.s32 $0x80;
	v13 =	vadd.s32 s21, v0;
	v9 =	vld.idx.msk [tilespmem:v9+s14+$0x0], $0xffff;
	[tilespmem:s18+$0xA0] =	vst v3  }
0x8a: {  	s15 =	sadd.s32 $0x415, s31;
	s1 =	sand.u32 $0x3FFFFC00, s26;
	v16 =	vadd.s32 s25, v0;
	v4 =	vld.idx.msk [tilespmem:v4+s14+$0x0], $0xffff;
	[dreg:$0x4] =	wrdreg s8  }
0x8b: {  	s23 =	sadd.s32 $0x1040, s5;
	s22 =	sadd.s32 $0xC31, s5;
	v18 =	vadd.s32 s15, v0;
	s1 =	sadd.s32 $0x10400, s1;
	[tilespmem:s24+$0x30] =	vst v2  }
0x8c: {  	s6 =	simm.s32 $0x1000;
	s2 =	sor.u32 $0x7, s31;
	v17 =	vadd.s32 s22, v0;
	s28 =	sadd.s32 s0, s1;
	v15 =	vadd.s32 s23, v0;
	[tilespmem:s18+$0x320] =	vst v12  }
0x8d: {  	s9 =	sand.u32 $0x7000, s6;
	v15 =	vand.u32 $0x7FFFFFF8, v15;
	v3 =	vadd.s32 s2, v0;
	v2 =	vld.idx.msk [tilespmem:v11+s14+$0x0], $0xffff;
	[tilespmem:s28+$0x0] =	vst v5  }
0x8e: {  	s7 =	sadd.s32 $0x824, s5;
	s19 =	sadd.s32 s9, s1;
	v11 =	vor.u32 v1, v15;
	v13 =	vld.idx.msk [tilespmem:v13+s14+$0x0], $0xffff;
	[tilespmem:s18+$0x210] =	vst v14  }
0x8f: {  	s10 =	sadd.s32 $0x411, s31;
	s13 =	sadd.s32 $0x410, s31;
	v15 =	vadd.s32 s7, v0;
	v16 =	vld.idx.msk [tilespmem:v16+s14+$0x0], $0xffff;
	[tilespmem:s19+$0x280] =	vst v7  }
0x90: {  	s11 =	sadd.s32 $0x1042, s5;
	v12 =	vadd.s32 s10, v0;
	v14 =	vadd.s32 s13, v0;
	[tilespmem:s19+$0x200] =	vst v9;
	v9 =	vld.idx.msk [tilespmem:v18+s14+$0x0], $0xffff  }
0x91: {  	v5 =	vadd.s32 s11, v0;
	v14 =	vand.u32 $0x7FFFFFF8, v14;
	[tilespmem:s19+$0x180] =	vst v4;
	v4 =	vld.idx.msk [tilespmem:v17+s14+$0x0], $0xffff  }
0x92: {  	s21 =	sadd.s32 $0x417, s31;
	v14 =	vor.u32 v1, v14;
	v3 =	vld.idx.msk [tilespmem:v3+s14+$0x0], $0xffff  }
0x93: {  	s16 =	sadd.s32 $0xC36, s5;
	[tilespmem:s19+$0x100] =	vst v8;
	v8 =	vadd.s32 s21, v0;
	v7 =	vld.idx.msk [tilespmem:v11+s14+$0x0], $0xffff  }
0x94: {  	s17 =	sadd.s32 $0xC34, s5;
	v11 =	vadd.s32 s16, v0;
	[tilespmem:s19+$0x80] =	vst v2;
	v2 =	vld.idx.msk [tilespmem:v15+s14+$0x0], $0xffff  }
0x95: {  	s26 =	sadd.s32 $0x825, s31;
	[tilespmem:s18+$0x130] =	vst v13;
	v13 =	vadd.s32 s17, v0;
	v12 =	vld.idx.msk [tilespmem:v12+s14+$0x0], $0xffff  }
0x96: {  	s22 =	sadd.s32 $0x1452, s5;
	[tilespmem:s19+$0x300] =	vst v6;
	v18 =	vadd.s32 s26, v0;
	v5 =	vld.idx.msk [tilespmem:v5+s14+$0x0], $0xffff  }
0x97: {  	s12 =	sadd.s32 $0x413, s31;
	v14 =	vld.idx.msk [tilespmem:v14+s14+$0x0], $0xffff;
	[tilespmem:s19+$0x380] =	vst v3;
	v3 =	vadd.s32 s22, v0  }
0x98: {  	s25 =	sadd.s32 $0x1450, s5;
	s23 =	sadd.s32 $0x1041, s5;
	v17 =	vadd.s32 s12, v0;
	[tilespmem:s19+$0x290] =	vst v9;
	v8 =	vld.idx.msk [tilespmem:v8+s14+$0x0], $0xffff  }
0x99: {  	s2 =	sadd.s32 $0x1046, s5;
	v6 =	vadd.s32 s23, v0;
	v15 =	vadd.s32 s25, v0;
	v11 =	vld.idx.msk [tilespmem:v11+s14+$0x0], $0xffff;
	[tilespmem:s18+$0x220] =	vst v2  }
0x9a: {  	[tilespmem:s18+$0xB0] =	vst v4;
	v2 =	vand.u32 $0x7FFFFFF8, v15;
	v4 =	vld.idx.msk [tilespmem:v13+s14+$0x0], $0xffff;
	v13 =	vadd.s32 s2, v0  }
0x9b: {  	s3 =	sadd.s32 $0x1044, s5;
	v18 =	vld.idx.msk [tilespmem:v18+s14+$0x0], $0xffff;
	v2 =	vor.u32 v1, v2;
	[tilespmem:s18+$0x140] =	vst v5  }
0x9c: {  	[tilespmem:s18+$0x1B0] =	vst v10;
	v15 =	vld.idx.msk [tilespmem:v3+s14+$0x0], $0xffff;
	v3 =	vadd.s32 s3, v0  }
0x9d: {  	s4 =	sadd.s32 $0x1043, s5;
	v17 =	vld.idx.msk [tilespmem:v17+s14+$0x0], $0xffff;
	[tilespmem:s24+$0x40] =	vst v7  }
0x9e: {  	s17 =	sadd.s32 $0x414, s31;
	v5 =	vld.idx.msk [tilespmem:v6+s14+$0x0], $0xffff;
	v6 =	vadd.s32 s4, v0;
	[tilespmem:s18+$0x330] =	vst v11  }
0x9f: {  	s6 =	sadd.s32 $0x1455, s5;
	v10 =	vadd.s32 s17, v0;
	[tilespmem:s19+$0x390] =	vst v8;
	v11 =	vld.idx.msk [tilespmem:v13+s14+$0x0], $0xffff  }
0xa0: {  	s23 =	sadd.s32 $0x1C73, s5;
	s22 =	sadd.s32 $0xC35, s31;
	v7 =	vadd.s32 s6, v0;
	v2 =	vld.idx.msk [tilespmem:v2+s14+$0x0], $0xffff;
	[tilespmem:s18+$0x230] =	vst v4  }
0xa1: {  	s7 =	sadd.s32 $0x1860, s5;
	s21 =	sadd.s32 $0x827, s31;
	v20 =	vadd.s32 s22, v0;
	v3 =	vld.idx.msk [tilespmem:v3+s14+$0x0], $0xffff;
	[smem:$0x7F5] =	sst s23  }
0xa2: {  	s9 =	sadd.s32 $0x1456, s5;
	v9 =	vadd.s32 s7, v0;
	v13 =	vadd.s32 s21, v0;
	[tilespmem:s19+$0x190] =	vst v17  }
0xa3: {  	v19 =	vadd.s32 s9, v0;
	v9 =	vand.u32 $0x7FFFFFF8, v9;
	v6 =	vld.idx.msk [tilespmem:v6+s14+$0x0], $0xffff;
	[tilespmem:s18+$0x2C0] =	vst v16  }
0xa4: {  	s25 =	sadd.s32 $0x412, s31;
	v9 =	vor.u32 v1, v9;
	v8 =	vld.idx.msk [tilespmem:v10+s14+$0x0], $0xffff;
	[tilespmem:s19+$0x90] =	vst v12  }
0xa5: {  	s8 =	sadd.s32 $0x1453, s5;
	v17 =	vadd.s32 s25, v0;
	[tilespmem:s19+$0x2A0] =	vst v18;
	v12 =	vld.idx.msk [tilespmem:v7+s14+$0x0], $0xffff  }
0xa6: {  	s15 =	sadd.s32 $0x1865, s5;
	v10 =	vadd.s32 s8, v0;
	[tilespmem:s28+$0x10] =	vst v14;
	v22 =	vld.idx.msk [tilespmem:v20+s14+$0x0], $0xffff  }
0xa7: {  	v16 =	vld.idx.msk [tilespmem:v13+s14+$0x0], $0xffff;
	[tilespmem:s18+$0x340] =	vst v11;
	v13 =	vadd.s32 s15, v0  }
0xa8: {  	[tilespmem:s24+$0x50] =	vst v2;
	v18 =	vld.idx.msk [tilespmem:v19+s14+$0x0], $0xffff  }
0xa9: {  	s16 =	sadd.s32 $0x1047, s5;
	v20 =	vld.idx.msk [tilespmem:v9+s14+$0x0], $0xffff;
	[tilespmem:s18+$0x240] =	vst v3  }
0xaa: {  	s30 =	sadd.s32 $0x1867, s5;
	s29 =	sadd.s32 $0x1044, s31;
	s0 =	sadd.s32 $0x1450, s31;
	v21 =	vadd.s32 s16, v0;
	v17 =	vld.idx.msk [tilespmem:v17+s14+$0x0], $0xffff;
	[tilespmem:s18+$0x1C0] =	vst v6  }
0xab: {  	s1 =	sadd.s32 $0x1C75, s5;
	s13 =	sadd.s32 $0x1454, s5;
	s2 =	sadd.s32 $0xC32, s31;
	v10 =	vld.idx.msk [tilespmem:v10+s14+$0x0], $0xffff;
	[tilespmem:s18+$0x2D0] =	vst v12  }
0xac: {  	s26 =	sadd.s32 $0xC30, s31;
	v33 =	vld.idx.msk [tilespmem:v13+s14+$0x0], $0xffff;
	[dreg:$0x1b] =	wrdreg s2;
	s2 =	sadd.s32 $0x1045, s31  }
0xad: {  	s9 =	sadd.s32 $0x1C70, s5;
	v23 =	vadd.s32 s13, v0;
	v11 =	vadd.s32 s26, v0;
	s26 =	sadd.s32 $0x1860, s31;
	[dreg:$0x13] =	wrdreg s2  }
0xae: {  	v28 =	vadd.s32 s1, v0;
	s1 =	sadd.s32 $0x1867, s31;
	s11 =	sadd.s32 $0x1451, s5;
	v32 =	vadd.s32 s26, v0;
	s26 =	sadd.s32 $0x1041, s31;
	[tilespmem:s19+$0x3A0] =	vst v16  }
0xaf: {  	s21 =	sadd.s32 $0xC37, s31;
	s2 =	sadd.s32 $0x1042, s31;
	v25 =	vld.idx.msk [tilespmem:v21+s14+$0x0], $0xffff;
	[dreg:$0x3] =	wrdreg s26  }
0xb0: {  	s10 =	sadd.s32 $0x1863, s5;
	v6 =	vadd.s32 s21, v0;
	s21 =	sadd.s32 $0x823, s31;
	[dreg:$0x17] =	wrdreg s2  }
0xb1: {  	s13 =	sadd.s32 $0x416, s31;
	s12 =	sadd.s32 $0x1866, s5;
	v13 =	vadd.s32 s21, v0;
	s21 =	sadd.s32 $0x1046, s31;
	[tilespmem:s19+$0x2B0] =	vst v22  }
0xb2: {  	v26 =	vadd.s32 s10, v0;
	s10 =	sadd.s32 $0x1C70, s31;
	v31 =	vand.u32 $0x7FFFFFF8, v11;
	v11 =	vadd.s32 s12, v0;
	s26 =	sadd.s32 $0x1043, s31;
	v22 =	vld.idx.msk [tilespmem:v23+s14+$0x0], $0xffff;
	[dreg:$0xf] =	wrdreg s21  }
0xb3: {  	s7 =	sadd.s32 $0x1457, s5;
	s17 =	sadd.s32 $0x820, s31;
	[dreg:$0xd] =	wrdreg s26  }
0xb4: {  	s16 =	sadd.s32 $0x826, s31;
	v27 =	vadd.s32 s7, v0;
	s7 =	sadd.s32 $0xC33, s31;
	v7 =	vadd.s32 s17, v0;
	v9 =	vadd.s32 s11, v0;
	s2 =	sadd.s32 $0x1455, s31;
	[tilespmem:s18+$0x350] =	vst v18  }
0xb5: {  	s22 =	sadd.s32 $0x1C74, s5;
	s17 =	sadd.s32 $0x824, s31;
	v19 =	vand.u32 $0x7FFFFFF8, v7;
	v34 =	vld.idx.msk [tilespmem:v6+s14+$0x0], $0xffff;
	[dreg:$0x9] =	wrdreg s2  }
0xb6: {  	s6 =	sadd.s32 $0x1864, s5;
	s25 =	sadd.s32 $0x1040, s31;
	v2 =	vadd.s32 s17, v0;
	s17 =	sadd.s32 $0x1456, s31;
	v7 =	vadd.s32 s0, v0;
	v19 =	vor.u32 v1, v19;
	[tilespmem:s18+$0xC0] =	vst v5  }
0xb7: {  	s4 =	sadd.s32 $0x1861, s5;
	v3 =	vand.u32 $0x7FFFFFF8, v7;
	v7 =	vadd.s32 s25, v0;
	s25 =	sadd.s32 $0x821, s31;
	v23 =	vld.idx.msk [tilespmem:v11+s14+$0x0], $0xffff;
	[dreg:$0xa] =	wrdreg s17  }
0xb8: {  	v35 =	vadd.s32 s6, v0;
	s6 =	sadd.s32 $0x1864, s31;
	v29 =	vadd.s32 s4, v0;
	s4 =	sadd.s32 $0x1C73, s31;
	v16 =	vadd.s32 s25, v0;
	s25 =	sadd.s32 $0x1047, s31;
	[tilespmem:s19+$0x110] =	vst v17  }
0xb9: {  	s3 =	sadd.s32 $0x1862, s5;
	v4 =	vadd.s32 s9, v0;
	s9 =	sadd.s32 $0x1C72, s5;
	v24 =	vld.idx.msk [tilespmem:v9+s14+$0x0], $0xffff;
	[dreg:$0x19] =	wrdreg s25  }
0xba: {  	s23 =	sadd.s32 $0x1C71, s5;
	s8 =	sadd.s32 $0x1C76, s5;
	v18 =	vadd.s32 s10, v0;
	s10 =	sadd.s32 $0x1451, s31;
	[tilespmem:s18+$0x1D0] =	vst v10  }
0xbb: {  	v14 =	vadd.s32 s13, v0;
	s13 =	sadd.s32 $0x1452, s31;
	s12 =	sadd.s32 $0xC36, s31;
	v21 =	vld.idx.msk [tilespmem:v19+s14+$0x0], $0xffff;
	[dreg:$0x11] =	wrdreg s10  }
0xbc: {  	s15 =	sadd.s32 $0xC34, s31;
	s11 =	sadd.s32 $0x822, s31;
	v6 =	vadd.s32 s12, v0;
	s12 =	sadd.s32 $0x1457, s31;
	[tilespmem:s18+$0x3C0] =	vst v25  }
0xbd: {  	s0 =	sadd.s32 $0xC31, s31;
	v36 =	vadd.s32 s11, v0;
	s11 =	sadd.s32 $0x1866, s31;
	v26 =	vld.idx.msk [tilespmem:v26+s14+$0x0], $0xffff;
	[dreg:$0x14] =	wrdreg s12  }
0xbe: {  	v12 =	vadd.s32 s7, v0;
	s7 =	sadd.s32 $0x1C74, s31;
	s21 =	sadd.s32 $0x1453, s31;
	s26 =	sadd.s32 $0x1454, s31;
	[tilespmem:s18+$0x250] =	vst v22  }
0xbf: {  	s2 =	smov.u32 s31;
	v11 =	vadd.s32 s16, v0;
	v5 =	vadd.s32 s15, v0;
	s15 =	sadd.s32 $0x1862, s31;
	s16 =	sld [smem:$0x7F5]  }
0xc0: {  	s17 =	sadd.s32 $0x1865, s31;
	s25 =	sadd.s32 $0x1863, s31;
	s10 =	sadd.s32 $0x1C75, s31  }
0xc1: {  	s12 =	sadd.s32 $0x1861, s31;
	v25 =	vld.idx.msk [tilespmem:v27+s14+$0x0], $0xffff;
	[dreg:$0x7] =	wrdreg s15;
	s15 =	sadd.s32 $0x1C71, s31  }
0xc2: {  	[tilespmem:s18+$0x2E0] =	vst v33;
	v27 =	vadd.s32 s16, v0;
	s16 =	sadd.s32 $0x1C76, s31;
	s31 =	sadd.s32 $0x1C77, s5;
	s5 =	sadd.s32 $0x1C72, s2  }
0xc3: {  	v30 =	vadd.s32 s3, v0;
	v4 =	vand.u32 $0x7FFFFFF8, v4;
	v18 =	vand.u32 $0x7FFFFFF8, v18;
	v19 =	vld.idx.msk [tilespmem:v35+s14+$0x0], $0xffff;
	[dreg:$0x5] =	wrdreg s5  }
0xc4: {  	v9 =	vadd.s32 s0, v0;
	v17 =	vor.u32 v1, v31;
	v10 =	vand.u32 $0x7FFFFFF8, v32;
	s2 =	sadd.s32 $0x1C77, s2;
	v22 =	vld.idx.msk [tilespmem:v36+s14+$0x0], $0xffff;
	[tilespmem:s19+$0x3B0] =	vst v34  }
.LBB2_4:
0xc5: {  	[smem:$0x7DF] =	sst s29  }
0xc6: {  	[smem:$0x7E4] =	sst s26  }
0xc7: {  	[smem:$0x7D9] =	sst s7  }
0xc8: {  	[smem:$0x7E1] =	sst s21  }
0xc9: {  	[smem:$0x7DB] =	sst s2  }
0xca: {  	[smem:$0x7E2] =	sst s17  }
0xcb: {  	[smem:$0x7E9] =	sst s25  }
0xcc: {  	[smem:$0x7E6] =	sst s11  }
0xcd: {  	[smem:$0x7EF] =	sst s10  }
0xce: {  	[smem:$0x7EC] =	sst s6  }
0xcf: {  	[smem:$0x7F1] =	sst s12  }
0xd0: {  	[dreg:$0x1e] =	wrdreg s4;
	s20 =	sadd.s32 $0x8, s20;
	s0 =	smov.u32 s1  }
0xd1: {  	s21 =	smov.u32 s15;
	s29 =	smov.u32 s16;
	s12 =	sshrl.u32 s20, $0x6  }
0xd2: {  	[tilespmem:s18+$0x150] =	vst v15;
	s3 =	sshll.u32 s20, $0x4;
	[smem:$0x7DA] =	sst s0;
	s2 =	smul.u32 $0x2080, s12  }
0xd3: {  	v16 =	vld.idx.msk [tilespmem:v16+s14+$0x0], $0xffff;
	[tilespmem:s24+$0x60] =	vst v20;
	s17 =	sand.u32 $0x38, s20;
	[smem:$0x7DC] =	sst s21;
	s5 =	sand.u32 $0x3FFFFC00, s3  }
0xd4: {  	[tilespmem:s18+$0x360] =	vst v23;
	v23 =	vld.idx.msk [tilespmem:v28+s14+$0x0], $0xffff;
	s7 =	sshll.u32 s17, $0x9;
	s5 =	sadd.s32 $0x10400, s5;
	s2 =	sor.u32 s17, s2  }
0xd5: {  	[tilespmem:s18+$0x1E0] =	vst v26;
	v15 =	vadd.s32 s23, v0;
	v14 =	vld.idx.msk [tilespmem:v14+s14+$0x0], $0xffff;
	s7 =	sadd.s32 s7, s5;
	s23 =	sor.u32 $0x2, s2;
	s25 =	sor.u32 $0x3, s2  }
0xd6: {  	v28 =	vor.u32 v1, v4;
	[tilespmem:s18+$0xD0] =	vst v24;
	v27 =	vld.idx.msk [tilespmem:v27+s14+$0x0], $0xffff;
	s26 =	sor.u32 $0x4, s2;
	s11 =	sadd.s32 $0x820, s2;
	s15 =	sor.u32 $0x6, s2  }
0xd7: {  	v26 =	vadd.s32 s30, v0;
	v13 =	vld.idx.msk [tilespmem:v13+s14+$0x0], $0xffff;
	[tilespmem:s18+$0x3D0] =	vst v25;
	s17 =	sadd.s32 $0x410, s2;
	s10 =	sadd.s32 $0x414, s2;
	s1 =	sadd.s32 $0x824, s2  }
0xd8: {  	v24 =	vld.idx.msk [tilespmem:v29+s14+$0x0], $0xffff;
	[tilespmem:s28+$0x20] =	vst v21;
	v21 =	vadd.s32 s9, v0;
	v25 =	vadd.s32 s8, v0;
	s21 =	sadd.s32 $0xC30, s2;
	s9 =	sadd.s32 $0xC34, s2;
	s8 =	sadd.s32 $0x826, s2  }
0xd9: {  	v29 =	vld.idx.msk [tilespmem:v30+s14+$0x0], $0xffff;
	[tilespmem:s19+$0x120] =	vst v22;
	v22 =	vadd.s32 s22, v0;
	s0 =	sadd.s32 $0x827, s2;
	s22 =	sor.u32 $0x5, s2;
	s30 =	sadd.s32 $0x821, s2  }
0xda: {  	v4 =	vmov v18;
	v18 =	vadd.s32 s2, v0;
	v17 =	vld.idx.msk [tilespmem:v17+s14+$0x0], $0xffff;
	s4 =	sadd.s32 $0x412, s2;
	s6 =	sadd.s32 $0x822, s2;
	s16 =	sadd.s32 $0x1045, s2  }
0xdb: {  	[tilespmem:s18+$0x260] =	vst v19;
	v19 =	vadd.s32 s31, v0;
	s3 =	sadd.s32 $0x1041, s2;
	s31 =	sadd.s32 $0x1042, s2;
	v18 =	vand.u32 $0x7FFFFFF8, v18;
	v31 =	vadd.s32 s15, v0;
	v28 =	vld.idx.msk [tilespmem:v28+s14+$0x0], $0xffff;
	[smem:$0x7E0] =	sst s4  }
0xdc: {  	v33 =	vadd.s32 s23, v0;
	s15 =	sadd.s32 $0x823, s2;
	v35 =	vadd.s32 s26, v0;
	s23 =	sadd.s32 $0xC36, s2;
	[smem:$0x7EE] =	sst s6;
	v20 =	vld.idx.msk [tilespmem:v26+s14+$0x0], $0xffff;
	[tilespmem:s19+$0x1A0] =	vst v13  }
0xdd: {  	v36 =	vadd.s32 s22, v0;
	s26 =	sadd.s32 $0xC37, s2;
	s4 =	sadd.s32 $0x1452, s2;
	v48 =	vadd.s32 s1, v0;
	v30 =	vor.u32 v1, v18;
	[smem:$0x7DD] =	sst s23;
	[tilespmem:s18+$0xE0] =	vst v24;
	v25 =	vld.idx.msk [tilespmem:v25+s14+$0x0], $0xffff  }
0xde: {  	s22 =	sadd.s32 $0x1450, s2;
	v18 =	vadd.s32 s11, v0;
	v26 =	vadd.s32 s17, v0;
	[smem:$0x7DE] =	sst s26;
	s23 =	smov.u32 s13;
	[tilespmem:s18+$0x160] =	vst v29;
	v34 =	vld.idx.msk [tilespmem:v15+s14+$0x0], $0xffff  }
0xdf: {  	s12 =	sor.u32 $0x1, s2;
	s6 =	sadd.s32 $0x1046, s2;
	v52 =	vadd.s32 s23, v0;
	s23 =	sld [smem:$0x7DC];
	v24 =	vand.u32 $0x7FFFFFF8, v26;
	v26 =	vadd.s32 s25, v0;
	[tilespmem:s19+$0xA0] =	vst v16;
	v16 =	vld.idx.msk [tilespmem:v22+s14+$0x0], $0xffff  }
0xe0: {  	s11 =	sadd.s32 $0x416, s2;
	v29 =	vadd.s32 s12, v0;
	s12 =	sadd.s32 $0x1040, s2;
	[tilespmem:s19+$0x310] =	vst v14;
	v14 =	vadd.s32 s22, v0;
	s22 =	rddreg [dreg:$0x4];
	v15 =	vor.u32 v1, v24;
	v21 =	vld.idx.msk [tilespmem:v21+s14+$0x0], $0xffff  }
0xe1: {  	s1 =	sadd.s32 $0x1867, s2;
	[tilespmem:s18+$0x1F0] =	vst v27;
	v24 =	vadd.s32 s12, v0;
	s12 =	sadd.s32 $0x1000, s22;
	v22 =	vand.u32 $0x7FFFFFF8, v14;
	v11 =	vld.idx.msk [tilespmem:v11+s14+$0x0], $0xffff;
	v14 =	vadd.s32 s11, v0;
	s11 =	rddreg [dreg:$0x13]  }
0xe2: {  	s17 =	sadd.s32 $0x411, s2;
	s13 =	sadd.s32 $0xC32, s2;
	[dreg:$0x4] =	wrdreg s12;
	v30 =	vld.idx.msk [tilespmem:v30+s14+$0x0], $0xffff;
	[tilespmem:s24+$0x70] =	vst v28  }
0xe3: {  	s26 =	sadd.s32 $0x413, s2;
	s12 =	sand.u32 $0x7000, s12;
	[tilespmem:s28+$0x30] =	vst v17;
	s24 =	rddreg [dreg:$0x1b]  }
0xe4: {  	v32 =	vand.u32 $0x7FFFFFF8, v18;
	s22 =	sadd.s32 s12, s5;
	s5 =	sadd.s32 $0x1860, s2;
	v17 =	vld.idx.msk [tilespmem:v26+s14+$0x0], $0xffff;
	v26 =	vadd.s32 s24, v0;
	[tilespmem:s18+$0x370] =	vst v25;
	s24 =	sadd.s32 $0x1454, s2  }
0xe5: {  	v38 =	vadd.s32 s26, v0;
	s26 =	sadd.s32 $0x415, s2;
	s25 =	sadd.s32 $0xC31, s2;
	v33 =	vld.idx.msk [tilespmem:v33+s14+$0x0], $0xffff;
	v25 =	vadd.s32 s5, v0;
	[smem:$0x7E5] =	sst s24;
	[tilespmem:s18+$0x170] =	vst v21  }
0xe6: {  	v18 =	vadd.s32 s21, v0;
	s21 =	sor.u32 $0x7, s2;
	s24 =	sadd.s32 $0x1047, s2;
	v21 =	vand.u32 $0x7FFFFFF8, v25;
	v25 =	vld.idx.msk [tilespmem:v31+s14+$0x0], $0xffff;
	[tilespmem:s19+$0x320] =	vst v11;
	v11 =	vadd.s32 s8, v0;
	s8 =	sld [smem:$0x7D9]  }
0xe7: {  	v37 =	vadd.s32 s21, v0;
	s21 =	sadd.s32 $0x1044, s2;
	v31 =	vadd.s32 s11, v0;
	s11 =	smov.u32 s13;
	[smem:$0x7E3] =	sst s24  }
0xe8: {  	[tilespmem:s18+$0x2F0] =	vst v23;
	v27 =	vadd.s32 s26, v0;
	s26 =	sadd.s32 $0x1453, s2;
	s13 =	sadd.s32 $0x1451, s2;
	[dreg:$0x1b] =	wrdreg s11  }
0xe9: {  	v23 =	vld.idx.msk [tilespmem:v12+s14+$0x0], $0xffff;
	v12 =	vadd.s32 s17, v0;
	s17 =	sadd.s32 $0x1456, s2;
	[tilespmem:s18+$0x3E0] =	vst v20;
	s24 =	sadd.s32 $0x1866, s2;
	[smem:$0x7E8] =	sst s13  }
0xea: {  	s12 =	sadd.s32 $0x1043, s2;
	v13 =	vld.idx.msk [tilespmem:v19+s14+$0x0], $0xffff;
	s13 =	sadd.s32 $0x1863, s2;
	[smem:$0x7E7] =	sst s24  }
0xeb: {  	v20 =	vadd.s32 s10, v0;
	s10 =	sadd.s32 $0x1455, s2;
	[smem:$0x7EA] =	sst s13;
	s13 =	smov.u32 s16  }
0xec: {  	s24 =	sadd.s32 $0x417, s2;
	s16 =	sadd.s32 $0x1864, s2;
	[dreg:$0x13] =	wrdreg s13  }
0xed: {  	s5 =	sadd.s32 $0x1865, s2;
	v46 =	vadd.s32 s24, v0;
	[smem:$0x7ED] =	sst s16;
	s24 =	sadd.s32 $0x1C75, s2  }
0xee: {  	v45 =	vld.idx.msk [tilespmem:v35+s14+$0x0], $0xffff;
	[tilespmem:s18+$0x270] =	vst v16;
	v16 =	vadd.s32 s30, v0;
	s30 =	sadd.s32 $0x1C76, s2;
	s13 =	sadd.s32 $0x1457, s2;
	[smem:$0x7F0] =	sst s24  }
0xef: {  	s11 =	sadd.s32 $0x1C77, s2;
	[tilespmem:s18+$0x3F0] =	vst v13;
	v13 =	vadd.s32 s15, v0;
	s15 =	sadd.s32 $0x1861, s2;
	[smem:$0x7EB] =	sst s13  }
0xf0: {  	v28 =	vld.idx.msk [tilespmem:v36+s14+$0x0], $0xffff;
	[tilespmem:s18+$0xF0] =	vst v34;
	s16 =	sadd.s32 $0x1C73, s2;
	s18 =	sadd.s32 $0x825, s2;
	[smem:$0x7F2] =	sst s15  }
0xf1: {  	v47 =	vand.u32 $0x7FFFFFF8, v7;
	v7 =	vmov v24;
	v24 =	vld.idx.msk [tilespmem:v29+s14+$0x0], $0xffff;
	[smem:$0x7F3] =	sst s16;
	s24 =	sadd.s32 $0x1C70, s2;
	s16 =	sadd.s32 $0x1862, s2  }
0xf2: {  	[tilespmem:s19+$0x210] =	vst v8;
	v26 =	vld.idx.msk [tilespmem:v26+s14+$0x0], $0xffff;
	v49 =	vadd.s32 s18, v0;
	s15 =	sadd.s32 $0x1C71, s2;
	s18 =	rddreg [dreg:$0x17];
	s13 =	sadd.s32 $0x1C72, s2  }
0xf3: {  	[tilespmem:s7+$0x0] =	vst v30;
	[smem:$0x7F4] =	sst s16;
	s16 =	sadd.s32 $0x1C74, s2;
	v30 =	vld.idx.msk [tilespmem:v31+s14+$0x0], $0xffff;
	v31 =	vadd.s32 s24, v0;
	s24 =	smov.u32 s31  }
0xf4: {  	v39 =	vld.idx.msk [tilespmem:v9+s14+$0x0], $0xffff;
	[tilespmem:s22+$0x180] =	vst v17;
	v9 =	vadd.s32 s18, v0;
	s18 =	smov.u32 s19;
	s19 =	smov.u32 s22;
	[dreg:$0x17] =	wrdreg s24  }
0xf5: {  	[tilespmem:s22+$0x280] =	vst v28;
	s24 =	smov.u32 s28;
	s28 =	smov.u32 s7;
	s7 =	sadd.s32 $0xC33, s2  }
0xf6: {  	[tilespmem:s22+$0x80] =	vst v24;
	v24 =	vadd.s32 s0, v0;
	s22 =	smov.u32 s8;
	s8 =	smov.u32 s29;
	s0 =	rddreg [dreg:$0x5]  }
0xf7: {  	s2 =	sadd.s32 $0xC35, s2;
	s29 =	smov.u32 s21;
	s21 =	rddreg [dreg:$0x9]  }
0xf8: {  	v51 =	vadd.s32 s2, v0;
	s2 =	sld [smem:$0x7DB];
	[tilespmem:s18+$0x130] =	vst v26;
	v26 =	vadd.s32 s9, v0;
	s9 =	smov.u32 s0  }
0xf9: {  	s0 =	smov.u32 s13;
	s13 =	smov.u32 s4;
	s4 =	sld [smem:$0x7DF]  }
0xfa: {  	[dreg:$0x5] =	wrdreg s0  }
0xfb: {  	s31 =	smov.u32 s2;
	s2 =	smov.u32 s11;
	s11 =	rddreg [dreg:$0x3]  }
0xfc: {  	v18 =	vand.u32 $0x7FFFFFF8, v18;
	[tilespmem:s19+$0x100] =	vst v33;
	s0 =	smov.u32 s3;
	s3 =	smov.u32 s6;
	s6 =	rddreg [dreg:$0xd]  }
0xfd: {  	v17 =	vor.u32 v1, v18;
	v18 =	vand.u32 $0x7FFFFFF8, v31;
	v31 =	vld.idx.msk [tilespmem:v9+s14+$0x0], $0xffff;
	v9 =	vadd.s32 s25, v0;
	s25 =	sld [smem:$0x7DD]  }
0xfe: {  	v29 =	vor.u32 v1, v47;
	[dreg:$0x3] =	wrdreg s0  }
0xff: {  	v37 =	vld.idx.msk [tilespmem:v37+s14+$0x0], $0xffff;
	[tilespmem:s19+$0x300] =	vst v25;
	v25 =	vadd.s32 s11, v0;
	s11 =	sld [smem:$0x7DE]  }
0x100: {  	v28 =	vld.idx.msk [tilespmem:v2+s14+$0x0], $0xffff;
	s0 =	sld [smem:$0x7F4]  }
0x101: {  	v56 =	vor.u32 v1, v3;
	v3 =	vmov v22;
	v50 =	vld.idx.msk [tilespmem:v38+s14+$0x0], $0xffff;
	v22 =	vadd.s32 s4, v0;
	s4 =	smov.u32 s17;
	s17 =	smov.u32 s5;
	s5 =	sld [smem:$0x7E6]  }
0x102: {  	v53 =	vld.idx.msk [tilespmem:v6+s14+$0x0], $0xffff;
	v6 =	vadd.s32 s25, v0;
	s25 =	rddreg [dreg:$0xf]  }
0x103: {  	v8 =	vld.idx.msk [tilespmem:v29+s14+$0x0], $0xffff;
	[tilespmem:s19+$0x200] =	vst v45;
	[dreg:$0xf] =	wrdreg s3  }
0x104: {  	v27 =	vld.idx.msk [tilespmem:v27+s14+$0x0], $0xffff;
	[tilespmem:s18+$0x1B0] =	vst v23;
	s3 =	rddreg [dreg:$0xa]  }
0x105: {  	v29 =	vld.idx.msk [tilespmem:v12+s14+$0x0], $0xffff;
	[tilespmem:s18+$0x220] =	vst v28;
	[dreg:$0xa] =	wrdreg s4  }
0x106: {  	[tilespmem:s18+$0xB0] =	vst v39;
	v55 =	vld.idx.msk [tilespmem:v5+s14+$0x0], $0xffff;
	v28 =	vadd.s32 s11, v0;
	s11 =	smov.u32 s12;
	s12 =	rddreg [dreg:$0x19]  }
0x107: {  	[tilespmem:s19+$0x380] =	vst v37;
	s4 =	sld [smem:$0x7E5]  }
0x108: {  	[tilespmem:s19+$0x190] =	vst v50;
	[dreg:$0xd] =	wrdreg s11  }
0x109: {  	v5 =	vmov v26;
	v26 =	vld.idx.msk [tilespmem:v46+s14+$0x0], $0xffff;
	[tilespmem:s19+$0x290] =	vst v27;
	v40 =	vadd.s32 s25, v0;
	s25 =	smov.u32 s10;
	s10 =	sld [smem:$0x7E1]  }
0x10a: {  	v54 =	vld.idx.msk [tilespmem:v15+s14+$0x0], $0xffff;
	[tilespmem:s24+$0x40] =	vst v8;
	s11 =	sld [smem:$0x7E2]  }
0x10b: {  	v23 =	vld.idx.msk [tilespmem:v25+s14+$0x0], $0xffff;
	v25 =	vadd.s32 s6, v0;
	[dreg:$0x9] =	wrdreg s25;
	[tilespmem:s18+$0x230] =	vst v55  }
0x10c: {  	[tilespmem:s18+$0x140] =	vst v31;
	v31 =	vadd.s32 s21, v0;
	s6 =	sld [smem:$0x7E0];
	v22 =	vld.idx.msk [tilespmem:v22+s14+$0x0], $0xffff  }
0x10d: {  	v27 =	vld.idx.msk [tilespmem:v49+s14+$0x0], $0xffff;
	[tilespmem:s18+$0x330] =	vst v53;
	s25 =	sld [smem:$0x7E3]  }
0x10e: {  	[tilespmem:s19+$0x390] =	vst v26;
	v26 =	vadd.s32 s3, v0;
	s3 =	sld [smem:$0x7E4];
	v8 =	vld.idx.msk [tilespmem:v20+s14+$0x0], $0xffff  }
0x10f: {  	[tilespmem:s18+$0x2C0] =	vst v30;
	v20 =	vadd.s32 s10, v0;
	s10 =	rddreg [dreg:$0x11];
	v57 =	vld.idx.msk [tilespmem:v40+s14+$0x0], $0xffff  }
0x110: {  	[tilespmem:s19+$0x90] =	vst v29;
	v58 =	vadd.s32 s6, v0;
	s6 =	sld [smem:$0x7E7];
	v25 =	vld.idx.msk [tilespmem:v25+s14+$0x0], $0xffff  }
0x111: {  	s21 =	smov.u32 s26;
	s26 =	smov.u32 s25;
	v29 =	vld.idx.msk [tilespmem:v31+s14+$0x0], $0xffff;
	[tilespmem:s18+$0x240] =	vst v22;
	v22 =	vadd.s32 s12, v0;
	s12 =	sld [smem:$0x7E8]  }
0x112: {  	v35 =	vld.idx.msk [tilespmem:v56+s14+$0x0], $0xffff;
	[dreg:$0x19] =	wrdreg s26  }
0x113: {  	v30 =	vor.u32 v1, v10;
	v15 =	vld.idx.msk [tilespmem:v52+s14+$0x0], $0xffff;
	s26 =	smov.u32 s4;
	s4 =	sld [smem:$0x7E9];
	[tilespmem:s19+$0x2A0] =	vst v27  }
0x114: {  	v10 =	vmov v21;
	v21 =	vadd.s32 s11, v0;
	v27 =	vld.idx.msk [tilespmem:v51+s14+$0x0], $0xffff;
	s11 =	smov.u32 s6;
	s6 =	rddreg [dreg:$0x14];
	[tilespmem:s18+$0x340] =	vst v57;
	s25 =	smov.u32 s12  }
0x115: {  	v24 =	vld.idx.msk [tilespmem:v24+s14+$0x0], $0xffff;
	[tilespmem:s18+$0x1C0] =	vst v25;
	[dreg:$0x11] =	wrdreg s25  }
0x116: {  	v26 =	vld.idx.msk [tilespmem:v26+s14+$0x0], $0xffff;
	[tilespmem:s18+$0x2D0] =	vst v29;
	v29 =	vadd.s32 s5, v0;
	s5 =	sld [smem:$0x7EA]  }
0x117: {  	[tilespmem:s24+$0x50] =	vst v35;
	v25 =	vadd.s32 s3, v0;
	s3 =	sld [smem:$0x7EC];
	v59 =	vld.idx.msk [tilespmem:v20+s14+$0x0], $0xffff  }
0x118: {  	v20 =	vld.idx.msk [tilespmem:v30+s14+$0x0], $0xffff;
	v30 =	vadd.s32 s10, v0;
	s10 =	sld [smem:$0x7EB]  }
0x119: {  	v19 =	vor.u32 v1, v32;
	v60 =	vld.idx.msk [tilespmem:v21+s14+$0x0], $0xffff;
	[tilespmem:s19+$0x2B0] =	vst v27;
	v27 =	vadd.s32 s4, v0;
	s4 =	sld [smem:$0x7ED]  }
0x11a: {  	[tilespmem:s19+$0x3A0] =	vst v24;
	v31 =	vld.idx.msk [tilespmem:v58+s14+$0x0], $0xffff;
	s25 =	smov.u32 s5;
	s5 =	sld [smem:$0x7EE]  }
0x11b: {  	v61 =	vld.idx.msk [tilespmem:v28+s14+$0x0], $0xffff;
	v63 =	vadd.s32 s3, v0;
	s3 =	sld [smem:$0x7F1]  }
0x11c: {  	[tilespmem:s18+$0xC0] =	vst v23;
	v22 =	vld.idx.msk [tilespmem:v22+s14+$0x0], $0xffff;
	s12 =	smov.u32 s10;
	s10 =	sld [smem:$0x7EF]  }
0x11d: {  	v62 =	vadd.s32 s6, v0;
	[tilespmem:s28+$0x10] =	vst v54;
	s6 =	smov.u32 s4;
	s4 =	sld [smem:$0x7F2];
	v25 =	vld.idx.msk [tilespmem:v25+s14+$0x0], $0xffff  }
0x11e: {  	v21 =	vld.idx.msk [tilespmem:v19+s14+$0x0], $0xffff;
	[tilespmem:s18+$0x350] =	vst v26;
	[dreg:$0x14] =	wrdreg s12  }
0x11f: {  	p0 =	slt.u32 s20, $0xF8;
	[tilespmem:s19+$0x110] =	vst v31;
	s12 =	sld [smem:$0x7F0];
	v23 =	vld.idx.msk [tilespmem:v29+s14+$0x0], $0xffff;
	v31 =	vadd.s32 s5, v0  }
.Ltmp1:
0x120: {  	v24 =	vld.idx.msk [tilespmem:v30+s14+$0x0], $0xffff;
	[tilespmem:s18+$0x1D0] =	vst v59;
	s5 =	rddreg [dreg:$0x1e];
	(pc) =	sbr.rel @p0 .LBB2_4-.Ltmp1, $4  }
0x121: {  	[tilespmem:s18+$0x3C0] =	vst v22;
	v29 =	vadd.s32 s3, v0;
	s3 =	sld [smem:$0x7F3];
	v26 =	vld.idx.msk [tilespmem:v27+s14+$0x0], $0xffff  }
0x122: {  	v12 =	vadd.s32 s7, v0;
	s7 =	smov.u32 s16;
	s16 =	smov.u32 s30;
	v27 =	vadd.s32 s5, v0;
	s5 =	rddreg [dreg:$0x7];
	[tilespmem:s18+$0x250] =	vst v25;
	v25 =	vld.idx.msk [tilespmem:v62+s14+$0x0], $0xffff  }
0x123: {  	s30 =	sld [smem:$0x7DA];
	[tilespmem:s18+$0x2E0] =	vst v60;
	v28 =	vadd.s32 s10, v0;
	s10 =	smov.u32 s12;
	v30 =	vadd.s32 s5, v0;
	s5 =	smov.u32 s0;
	v19 =	vld.idx.msk [tilespmem:v63+s14+$0x0], $0xffff  }
0x124: {  	v2 =	vmov v48;
	s12 =	smov.u32 s4;
	s4 =	smov.u32 s3;
	[dreg:$0x7] =	wrdreg s5;
	[tilespmem:s19+$0x3B0] =	vst v61;
	v22 =	vld.idx.msk [tilespmem:v31+s14+$0x0], $0xffff  }
0x125: {  	v4 =	vor.u32 v1, v4;
	_ =	sdelay $0x1  }
0x126: {  	[tilespmem:s24+$0x60] =	vst v20  }
0x127: {  	[tilespmem:s28+$0x20] =	vst v21  }
0x128: {  	v7 =	vand.u32 $0x7FFFFFF8, v7;
	[tilespmem:s18+$0xD0] =	vst v24;
	v17 =	vld.idx.msk [tilespmem:v17+s14+$0x0], $0xffff  }
0x129: {  	[tilespmem:s18+$0x360] =	vst v23;
	v55 =	vor.u32 v1, v7;
	v4 =	vld.idx.msk [tilespmem:v4+s14+$0x0], $0xffff  }
0x12a: {  	[tilespmem:s18+$0x150] =	vst v15;
	v56 =	vadd.s32 s30, v0  }
0x12b: {  	v59 =	vld.idx.msk [tilespmem:v28+s14+$0x0], $0xffff;
	[tilespmem:s18+$0x1E0] =	vst v26  }
0x12c: {  	v14 =	vld.idx.msk [tilespmem:v14+s14+$0x0], $0xffff;
	[tilespmem:s18+$0x3D0] =	vst v25  }
0x12d: {  	v58 =	vadd.s32 s8, v0;
	v15 =	vld.idx.msk [tilespmem:v30+s14+$0x0], $0xffff;
	[tilespmem:s28+$0x30] =	vst v17  }
0x12e: {  	v60 =	vadd.s32 s9, v0;
	[tilespmem:s24+$0x70] =	vst v4;
	v4 =	vld.idx.msk [tilespmem:v55+s14+$0x0], $0xffff  }
0x12f: {  	v3 =	vor.u32 v1, v3;
	[tilespmem:s18+$0x260] =	vst v19;
	v7 =	vld.idx.msk [tilespmem:v56+s14+$0x0], $0xffff  }
0x130: {  	v61 =	vadd.s32 s31, v0;
	v57 =	vld.idx.msk [tilespmem:v29+s14+$0x0], $0xffff;
	[tilespmem:s18+$0x2F0] =	vst v59  }
0x131: {  	v62 =	vadd.s32 s23, v0;
	v63 =	vld.idx.msk [tilespmem:v27+s14+$0x0], $0xffff;
	[tilespmem:s19+$0x310] =	vst v14  }
0x132: {  	v25 =	vld.idx.msk [tilespmem:v58+s14+$0x0], $0xffff;
	[tilespmem:s18+$0x160] =	vst v15  }
0x133: {  	v26 =	vadd.s32 s22, v0;
	v27 =	vld.idx.msk [tilespmem:v60+s14+$0x0], $0xffff;
	[tilespmem:s28+$0x40] =	vst v4  }
0x134: {  	[tilespmem:s18+$0x3E0] =	vst v7;
	v3 =	vld.idx.msk [tilespmem:v3+s14+$0x0], $0xffff  }
0x135: {  	v28 =	vor.u32 v1, v10;
	[tilespmem:s18+$0xE0] =	vst v57;
	v29 =	vld.idx.msk [tilespmem:v61+s14+$0x0], $0xffff  }
0x136: {  	v30 =	vld.idx.msk [tilespmem:v62+s14+$0x0], $0xffff;
	[tilespmem:s18+$0x1F0] =	vst v63  }
0x137: {  	[tilespmem:s18+$0x370] =	vst v25  }
0x138: {  	[tilespmem:s18+$0x170] =	vst v27;
	v4 =	vld.idx.msk [tilespmem:v26+s14+$0x0], $0xffff  }
0x139: {  	[tilespmem:s28+$0x50] =	vst v3  }
0x13a: {  	[tilespmem:s18+$0x3F0] =	vst v29;
	v3 =	vld.idx.msk [tilespmem:v28+s14+$0x0], $0xffff  }
0x13b: {  	v31 =	vor.u32 v1, v18;
	v11 =	vld.idx.msk [tilespmem:v11+s14+$0x0], $0xffff;
	s0 =	rddreg [dreg:$0x1b];
	[tilespmem:s18+$0xF0] =	vst v30  }
0x13c: {  	v13 =	vld.idx.msk [tilespmem:v13+s14+$0x0], $0xffff;
	[tilespmem:s19+$0x210] =	vst v8;
	v32 =	vadd.s32 s0, v0  }
0x13d: {  	[tilespmem:s18+$0x270] =	vst v4;
	v2 =	vld.idx.msk [tilespmem:v2+s14+$0x0], $0xffff  }
0x13e: {  	[tilespmem:s19+$0x120] =	vst v22  }
0x13f: {  	v33 =	vld.idx.msk [tilespmem:v16+s14+$0x0], $0xffff;
	[tilespmem:s28+$0x60] =	vst v3  }
0x140: {  	v3 =	vld.idx.msk [tilespmem:v31+s14+$0x0], $0xffff;
	s31 =	rddreg [dreg:$0x13];
	[tilespmem:s19+$0x320] =	vst v11  }
0x141: {  	v35 =	vld.idx.msk [tilespmem:v32+s14+$0x0], $0xffff;
	v34 =	vadd.s32 s31, v0;
	s3 =	rddreg [dreg:$0x17];
	[tilespmem:s19+$0x1A0] =	vst v13  }
0x142: {  	v6 =	vld.idx.msk [tilespmem:v6+s14+$0x0], $0xffff;
	v36 =	vadd.s32 s3, v0;
	s5 =	rddreg [dreg:$0xf];
	[tilespmem:s19+$0x220] =	vst v2  }
0x143: {  	v12 =	vld.idx.msk [tilespmem:v12+s14+$0x0], $0xffff;
	v37 =	vadd.s32 s5, v0;
	s8 =	rddreg [dreg:$0xd]  }
0x144: {  	[tilespmem:s19+$0xA0] =	vst v33;
	v38 =	vld.idx.msk [tilespmem:v5+s14+$0x0], $0xffff;
	v2 =	vadd.s32 s8, v0  }
0x145: {  	v39 =	vadd.s32 s29, v0;
	[tilespmem:s28+$0x70] =	vst v3;
	v3 =	vld.idx.msk [tilespmem:v9+s14+$0x0], $0xffff  }
0x146: {  	s9 =	rddreg [dreg:$0x3];
	v7 =	vld.idx.msk [tilespmem:v34+s14+$0x0], $0xffff;
	[tilespmem:s19+$0x130] =	vst v35  }
0x147: {  	v40 =	vadd.s32 s9, v0;
	s18 =	rddreg [dreg:$0x9];
	v10 =	vld.idx.msk [tilespmem:v36+s14+$0x0], $0xffff;
	[tilespmem:s19+$0x330] =	vst v6  }
0x148: {  	v41 =	vadd.s32 s18, v0;
	s20 =	rddreg [dreg:$0x19];
	[tilespmem:s19+$0x1B0] =	vst v12;
	v11 =	vld.idx.msk [tilespmem:v37+s14+$0x0], $0xffff  }
0x149: {  	v42 =	vadd.s32 s20, v0;
	s22 =	rddreg [dreg:$0xa];
	[tilespmem:s19+$0x230] =	vst v38;
	v2 =	vld.idx.msk [tilespmem:v2+s14+$0x0], $0xffff  }
0x14a: {  	v44 =	vadd.s32 s21, v0;
	[tilespmem:s19+$0xB0] =	vst v3;
	v3 =	vld.idx.msk [tilespmem:v39+s14+$0x0], $0xffff  }
0x14b: {  	v43 =	vadd.s32 s22, v0;
	[tilespmem:s19+$0x2C0] =	vst v7  }
0x14c: {  	v47 =	vadd.s32 s13, v0;
	v9 =	vld.idx.msk [tilespmem:v40+s14+$0x0], $0xffff;
	s23 =	rddreg [dreg:$0x11];
	[tilespmem:s19+$0x140] =	vst v10  }
0x14d: {  	v46 =	vadd.s32 s23, v0;
	v8 =	vld.idx.msk [tilespmem:v41+s14+$0x0], $0xffff;
	[tilespmem:s19+$0x340] =	vst v11  }
0x14e: {  	v45 =	vadd.s32 s26, v0;
	v6 =	vld.idx.msk [tilespmem:v42+s14+$0x0], $0xffff;
	s24 =	rddreg [dreg:$0x14];
	[tilespmem:s19+$0x1C0] =	vst v2  }
0x14f: {  	v48 =	vadd.s32 s24, v0;
	[tilespmem:s19+$0x240] =	vst v3;
	v3 =	vld.idx.msk [tilespmem:v44+s14+$0x0], $0xffff  }
0x150: {  	v2 =	vadd.s32 s17, v0;
	v12 =	vld.idx.msk [tilespmem:v43+s14+$0x0], $0xffff  }
0x151: {  	v49 =	vadd.s32 s11, v0;
	v10 =	vld.idx.msk [tilespmem:v47+s14+$0x0], $0xffff;
	[tilespmem:s19+$0xC0] =	vst v9  }
0x152: {  	v50 =	vadd.s32 s25, v0;
	[tilespmem:s19+$0x2D0] =	vst v8;
	v7 =	vld.idx.msk [tilespmem:v46+s14+$0x0], $0xffff  }
0x153: {  	v51 =	vadd.s32 s12, v0;
	v5 =	vld.idx.msk [tilespmem:v45+s14+$0x0], $0xffff;
	[tilespmem:s19+$0x3C0] =	vst v6  }
0x154: {  	s26 =	rddreg [dreg:$0x7];
	v11 =	vld.idx.msk [tilespmem:v48+s14+$0x0], $0xffff;
	[tilespmem:s19+$0x1D0] =	vst v3;
	v3 =	vadd.s32 s6, v0  }
0x155: {  	v2 =	vld.idx.msk [tilespmem:v2+s14+$0x0], $0xffff;
	[tilespmem:s19+$0x350] =	vst v12;
	v52 =	vadd.s32 s26, v0  }
0x156: {  	v53 =	vadd.s32 s1, v0;
	[tilespmem:s19+$0x150] =	vst v10;
	v4 =	vld.idx.msk [tilespmem:v49+s14+$0x0], $0xffff  }
0x157: {  	v54 =	vadd.s32 s10, v0;
	v9 =	vld.idx.msk [tilespmem:v50+s14+$0x0], $0xffff;
	[tilespmem:s19+$0xD0] =	vst v7  }
0x158: {  	v55 =	vadd.s32 s4, v0;
	[tilespmem:s19+$0x250] =	vst v5;
	v8 =	vld.idx.msk [tilespmem:v51+s14+$0x0], $0xffff  }
0x159: {  	v56 =	vadd.s32 s16, v0;
	[tilespmem:s19+$0x3D0] =	vst v11;
	v3 =	vld.idx.msk [tilespmem:v3+s14+$0x0], $0xffff  }
0x15a: {  	v59 =	vadd.s32 s15, v0;
	v6 =	vld.idx.msk [tilespmem:v52+s14+$0x0], $0xffff;
	s28 =	rddreg [dreg:$0x5];
	[tilespmem:s19+$0x2E0] =	vst v2  }
0x15b: {  	v60 =	vadd.s32 s7, v0;
	v2 =	vld.idx.msk [tilespmem:v53+s14+$0x0], $0xffff;
	[tilespmem:s19+$0x360] =	vst v4  }
0x15c: {  	[tilespmem:s19+$0x1E0] =	vst v9;
	v57 =	vadd.s32 s28, v0;
	v5 =	vld.idx.msk [tilespmem:v54+s14+$0x0], $0xffff  }
0x15d: {  	v58 =	vadd.s32 s2, v0;
	v7 =	vld.idx.msk [tilespmem:v55+s14+$0x0], $0xffff;
	[tilespmem:s19+$0xE0] =	vst v8  }
0x15e: {  	v61 =	vld.idx.msk [tilespmem:v56+s14+$0x0], $0xffff;
	[tilespmem:s19+$0x260] =	vst v3  }
0x15f: {  	v3 =	vld.idx.msk [tilespmem:v59+s14+$0x0], $0xffff;
	[tilespmem:s19+$0x160] =	vst v6  }
0x160: {  	[tilespmem:s19+$0x3E0] =	vst v2;
	v63 =	vld.idx.msk [tilespmem:v60+s14+$0x0], $0xffff  }
0x161: {  	v62 =	vld.idx.msk [tilespmem:v57+s14+$0x0], $0xffff;
	[tilespmem:s19+$0x2F0] =	vst v5  }
0x162: {  	v2 =	vld.idx.msk [tilespmem:v58+s14+$0x0], $0xffff;
	[tilespmem:s19+$0x1F0] =	vst v7  }
0x163: {  	[tilespmem:s19+$0x370] =	vst v61  }
0x164: {  	[tilespmem:s19+$0xF0] =	vst v3  }
0x165: {  	[tilespmem:s19+$0x270] =	vst v63  }
0x166: {  	[tilespmem:s19+$0x170] =	vst v62  }
0x167: {  	[tilespmem:s19+$0x3F0] =	vst v2  }
0x168: {  	s30 =	sld [smem:$0x7FC]  }
0x169: {  	s29 =	simm.s32 $0x0  }
0x16a: {  	s4 =	simm.s32 $0x1;
	s31 =	simm.s32 $0x10400;
	s3 =	simm.s32 $0x1  }
0x16b: {  	[hbm4b:s30+s29] =	stream.linear.scatter [tilespmem:s31], [sflag:$0x2], $0x8000, $0x38;
	[tilespmem:$0x18400] =	vst v63  }
.LBB2_6:
0x16c: {  	_ =	swait.ge [sflag:s3], $0x8000  }
0x16d: {  	[sflag:s3] =	ssyncset.done $0x0  }
0x16e: {  	s2 =	simm.s32 $0x300;
	[sflag:s3] =	ssyncadd.s32 $0xFFFF8000  }
0x16f: {  	v2 =	vld [tilespmem:s2+$0xC0]  }
0x170: {  	v3 =	vld [tilespmem:s2+$0xFFFFFF40]  }
0x171: {  	v4 =	vld [tilespmem:s2+$0xFFFFFF80]  }
0x172: {  	v5 =	vld [tilespmem:s2+$0xFFFFFFC0]  }
0x173: {  	s0 =	simm.s32 $0x8304;
	v6 =	vld [tilespmem:s2+$0x0]  }
0x174: {  	v7 =	vld [tilespmem:s2+$0x40];
	[tilespmem:s0+$0xC3] =	vst v2  }
0x175: {  	[tilespmem:s0+$0xFFFFFF3D] =	vst v3;
	v3 =	vld [tilespmem:s2+$0x80]  }
0x176: {  	[tilespmem:s0+$0xFFFFFF7E] =	vst v4;
	v4 =	vld [tilespmem:s2+$0xFFFFFF00]  }
0x177: {  	[tilespmem:s0+$0xFFFFFFBF] =	vst v5;
	v2 =	vld [tilespmem:s2+$0xD0]  }
0x178: {  	[tilespmem:s0+$0x0] =	vst v6;
	v5 =	vld [tilespmem:s2+$0xFFFFFF50]  }
0x179: {  	[tilespmem:s0+$0x41] =	vst v7;
	v6 =	vld [tilespmem:s2+$0xFFFFFF90]  }
0x17a: {  	v7 =	vld [tilespmem:s2+$0xFFFFFFD0];
	[tilespmem:s0+$0x82] =	vst v3  }
0x17b: {  	[tilespmem:s0+$0xFFFFFEFC] =	vst v4;
	v3 =	vld [tilespmem:s2+$0x10]  }
0x17c: {  	[tilespmem:s0+$0xD3] =	vst v2;
	v4 =	vld [tilespmem:s2+$0xFFFFFF10]  }
0x17d: {  	[tilespmem:s0+$0xFFFFFF4D] =	vst v5;
	v5 =	vld [tilespmem:s2+$0x50]  }
0x17e: {  	[tilespmem:s0+$0xFFFFFF8E] =	vst v6;
	v6 =	vld [tilespmem:s2+$0x90]  }
0x17f: {  	[tilespmem:s0+$0xFFFFFFCF] =	vst v7;
	v2 =	vld [tilespmem:s2+$0xE0]  }
0x180: {  	v7 =	vld [tilespmem:s2+$0xFFFFFF60];
	[tilespmem:s0+$0x10] =	vst v3  }
0x181: {  	v3 =	vld [tilespmem:s2+$0xFFFFFFA0];
	[tilespmem:s0+$0xFFFFFF0C] =	vst v4  }
0x182: {  	[tilespmem:s0+$0x51] =	vst v5;
	v5 =	vld [tilespmem:s2+$0xFFFFFFE0]  }
0x183: {  	[tilespmem:s0+$0x92] =	vst v6;
	v4 =	vld [tilespmem:s2+$0xFFFFFF20]  }
0x184: {  	v6 =	vld [tilespmem:s2+$0x20];
	[tilespmem:s0+$0xE3] =	vst v2  }
0x185: {  	[tilespmem:s0+$0xFFFFFF5D] =	vst v7;
	v7 =	vld [tilespmem:s2+$0x60]  }
0x186: {  	v2 =	vld [tilespmem:s2+$0xF0];
	[tilespmem:s0+$0xFFFFFF9E] =	vst v3  }
0x187: {  	v8 =	vld [tilespmem:s2+$0xA0];
	[tilespmem:s0+$0xFFFFFFDF] =	vst v5  }
0x188: {  	v9 =	vld [tilespmem:s2+$0xFFFFFF70];
	[tilespmem:s0+$0xFFFFFF1C] =	vst v4  }
0x189: {  	[tilespmem:s0+$0x20] =	vst v6;
	v10 =	vld [tilespmem:s2+$0xFFFFFF30]  }
0x18a: {  	v4 =	vld [tilespmem:s2+$0xFFFFFFB0];
	[tilespmem:s0+$0x61] =	vst v7  }
0x18b: {  	[tilespmem:s0+$0xF3] =	vst v2;
	v2 =	vld [tilespmem:s2+$0xFFFFFFF0]  }
0x18c: {  	v3 =	vld [tilespmem:s2+$0x30];
	[tilespmem:s0+$0xA2] =	vst v8  }
0x18d: {  	[tilespmem:s0+$0xFFFFFF6D] =	vst v9;
	v5 =	vld [tilespmem:s2+$0x70]  }
0x18e: {  	s1 =	simm.s32 $0x0;
	v6 =	vld [tilespmem:s2+$0xB0];
	s2 =	simm.s32 $0x500;
	[tilespmem:s0+$0xFFFFFF2C] =	vst v10  }
.LBB2_7:
0x18f: {  	v7 =	vld [tilespmem:s2+$0xC0];
	s1 =	sadd.s32 $0x8, s1;
	[tilespmem:s0+$0xFFFFFFAE] =	vst v4  }
0x190: {  	v4 =	vld [tilespmem:s2+$0xFFFFFF40];
	p0 =	slt.u32 s1, $0x1F8;
	[tilespmem:s0+$0xFFFFFFEF] =	vst v2  }
0x191: {  	v2 =	vld [tilespmem:s2+$0xFFFFFF80];
	[tilespmem:s0+$0x30] =	vst v3  }
0x192: {  	v3 =	vld [tilespmem:s2+$0xFFFFFFC0];
	[tilespmem:s0+$0x71] =	vst v5  }
0x193: {  	v5 =	vld [tilespmem:s2+$0x0];
	[tilespmem:s0+$0xB2] =	vst v6;
	s0 =	sadd.s32 $0x208, s0  }
0x194: {  	v6 =	vld [tilespmem:s2+$0x40];
	[tilespmem:s0+$0xC3] =	vst v7  }
0x195: {  	[tilespmem:s0+$0xFFFFFF3D] =	vst v4;
	v4 =	vld [tilespmem:s2+$0xD0]  }
0x196: {  	[tilespmem:s0+$0xFFFFFF7E] =	vst v2;
	v2 =	vld [tilespmem:s2+$0x80]  }
0x197: {  	v7 =	vld [tilespmem:s2+$0xFFFFFF00];
	[tilespmem:s0+$0xFFFFFFBF] =	vst v3  }
0x198: {  	v3 =	vld [tilespmem:s2+$0xFFFFFF50];
	[tilespmem:s0+$0x0] =	vst v5  }
0x199: {  	v5 =	vld [tilespmem:s2+$0xFFFFFF90];
	[tilespmem:s0+$0x41] =	vst v6  }
0x19a: {  	v6 =	vld [tilespmem:s2+$0xFFFFFFD0];
	[tilespmem:s0+$0xD3] =	vst v4  }
0x19b: {  	[tilespmem:s0+$0x82] =	vst v2;
	v2 =	vld [tilespmem:s2+$0xE0]  }
0x19c: {  	[tilespmem:s0+$0xFFFFFEFC] =	vst v7;
	v4 =	vld [tilespmem:s2+$0x10]  }
0x19d: {  	v7 =	vld [tilespmem:s2+$0xFFFFFF10];
	[tilespmem:s0+$0xFFFFFF4D] =	vst v3  }
0x19e: {  	[tilespmem:s0+$0xFFFFFF8E] =	vst v5;
	v3 =	vld [tilespmem:s2+$0x50]  }
0x19f: {  	[tilespmem:s0+$0xFFFFFFCF] =	vst v6;
	v5 =	vld [tilespmem:s2+$0x90]  }
0x1a0: {  	v6 =	vld [tilespmem:s2+$0xFFFFFF60];
	[tilespmem:s0+$0xE3] =	vst v2  }
0x1a1: {  	[tilespmem:s0+$0x10] =	vst v4;
	v2 =	vld [tilespmem:s2+$0xF0]  }
0x1a2: {  	[tilespmem:s0+$0xFFFFFF0C] =	vst v7;
	v4 =	vld [tilespmem:s2+$0xFFFFFFA0]  }
0x1a3: {  	v7 =	vld [tilespmem:s2+$0xFFFFFF20];
	[tilespmem:s0+$0x51] =	vst v3  }
0x1a4: {  	v3 =	vld [tilespmem:s2+$0xFFFFFFE0];
	[tilespmem:s0+$0x92] =	vst v5  }
0x1a5: {  	[tilespmem:s0+$0xFFFFFF5D] =	vst v6;
	v5 =	vld [tilespmem:s2+$0x20]  }
0x1a6: {  	v6 =	vld [tilespmem:s2+$0x60];
	[tilespmem:s0+$0xF3] =	vst v2  }
0x1a7: {  	[tilespmem:s0+$0xFFFFFF9E] =	vst v4;
	v8 =	vld [tilespmem:s2+$0xA0]  }
0x1a8: {  	[tilespmem:s0+$0xFFFFFF1C] =	vst v7;
	v7 =	vld [tilespmem:s2+$0xFFFFFF70]  }
0x1a9: {  	v9 =	vld [tilespmem:s2+$0xFFFFFF30];
	[tilespmem:s0+$0xFFFFFFDF] =	vst v3  }
.Ltmp2:
0x1aa: {  	v4 =	vld [tilespmem:s2+$0xFFFFFFB0];
	[tilespmem:s0+$0x20] =	vst v5;
	(pc) =	sbr.rel @p0 .LBB2_7-.Ltmp2, $4  }
0x1ab: {  	v2 =	vld [tilespmem:s2+$0xFFFFFFF0];
	[tilespmem:s0+$0x61] =	vst v6  }
0x1ac: {  	v3 =	vld [tilespmem:s2+$0x30];
	[tilespmem:s0+$0xA2] =	vst v8  }
0x1ad: {  	[tilespmem:s0+$0xFFFFFF6D] =	vst v7;
	v5 =	vld [tilespmem:s2+$0x70]  }
0x1ae: {  	[tilespmem:s0+$0xFFFFFF2C] =	vst v9;
	v6 =	vld [tilespmem:s2+$0xB0];
	s2 =	sadd.s32 $0x200, s2  }
0x1af: {  	[smem:$0x7D6] =	sst s4;
	s1 =	sadd.s32 $0x1, s4  }
0x1b0: {  	[smem:$0x7D7] =	sst s1  }
0x1b1: {  	[tilespmem:s0+$0xFFFFFFAE] =	vst v4  }
0x1b2: {  	[tilespmem:s0+$0xFFFFFFEF] =	vst v2  }
0x1b3: {  	s2 =	sld [smem:$0x7F9];
	[tilespmem:s0+$0x30] =	vst v3  }
0x1b4: {  	p0 =	slt.s32 s1, $0x7F;
	[tilespmem:s0+$0x71] =	vst v5  }
0x1b5: {  	s1 =	simm.s32 @!p0 $0x7F;
	[tilespmem:s0+$0xB2] =	vst v6  }
0x1b6: {  	s0 =	sld [smem:$0x7F8];
	s1 =	sor.u32 s2, s1  }
0x1b7: {  	s1 =	sshll.u32 s1, $0x6  }
0x1b8: {  	s1 =	sand.u32 $0x1FFFFFC0, s1  }
0x1b9: {  	s10 =	simm.s32 $0x0;
	s11 =	simm.s32 $0x0;
	s0 =	sadd.s32 s0, s1  }
0x1ba: {  	[tilespmem:s10], [sflag:$0x3] =	stream.linear.gather [hbm4b:s0+s10], $0x200, $0x38;
	[tilespmem:$0x18400] =	vst v63  }
0x1bb: {  	s12 =	simm.s32 $0x0;
	s3 =	simm.s32 $0x3;
	s0 =	smul.u32 $0x2080, s11  }
0x1bc: {  	s2 =	sand.u32 $0x38, s12;
	_ =	swait.ge [sflag:s3], $0x200  }
0x1bd: {  	s15 =	simm.s32 $0x200;
	s6 =	sor.u32 s2, s0;
	s13 =	sld [smem:$0x7F7]  }
0x1be: {  	s17 =	simm.s32 $0x2;
	[sflag:s3] =	ssyncset.done $0x0;
	s0 =	sor.u32 $0x5, s6  }
0x1bf: {  	[sflag:s3] =	ssyncadd.s32 $0xFFFFFE00;
	s16 =	sor.u32 $0x7, s6;
	s18 =	sor.u32 $0x2, s6;
	v2 =	vadd.s32 s0, v0  }
0x1c0: {  	v4 =	vadd.s32 s16, v0;
	[tilespmem:s15], [sflag:$0x1] =	stream.indirect.gather [hbm4b:s13+s15], $0x40, s10, s15, $0xb8;
	[tilespmem:$0x18400] =	vst v63  }
0x1c1: {  	s19 =	sor.u32 $0x1, s6;
	v5 =	vadd.s32 s18, v0;
	_ =	swait.ge [sflag:s17], $0x8000  }
0x1c2: {  	s22 =	sor.u32 $0x3, s6;
	v6 =	vadd.s32 s19, v0;
	[sflag:s17] =	ssyncset.done $0x0  }
0x1c3: {  	v3 =	vadd.s32 s6, v0;
	s26 =	sor.u32 $0x4, s6;
	v8 =	vadd.s32 s22, v0;
	[sflag:s17] =	ssyncadd.s32 $0xFFFF8000  }
0x1c4: {  	v3 =	vand.u32 $0x7FFFFFF8, v3;
	v11 =	vadd.s32 s26, v0;
	v2 =	vld.idx.msk [tilespmem:v2+s14+$0x0], $0xffff  }
0x1c5: {  	s20 =	sadd.s32 $0x415, s6;
	v3 =	vor.u32 v1, v3;
	v4 =	vld.idx.msk [tilespmem:v4+s14+$0x0], $0xffff  }
0x1c6: {  	s21 =	simm.s32 $0x0;
	s24 =	sadd.s32 $0x417, s6;
	v7 =	vadd.s32 s20, v0;
	v5 =	vld.idx.msk [tilespmem:v5+s14+$0x0], $0xffff  }
0x1c7: {  	s23 =	sand.u32 $0x3FFFFC00, s21;
	s25 =	sor.u32 $0x6, s6;
	v9 =	vadd.s32 s24, v0;
	v6 =	vld.idx.msk [tilespmem:v6+s14+$0x0], $0xffff  }
0x1c8: {  	s1 =	sand.u32 $0x7000, s10;
	s11 =	sadd.s32 $0x413, s6;
	s0 =	sadd.s32 $0x10400, s23;
	v10 =	vadd.s32 s25, v0;
	v8 =	vld.idx.msk [tilespmem:v8+s14+$0x0], $0xffff  }
0x1c9: {  	s5 =	sadd.s32 $0x411, s6;
	v14 =	vadd.s32 s11, v0;
	s20 =	sadd.s32 s1, s0;
	v11 =	vld.idx.msk [tilespmem:v11+s14+$0x0], $0xffff  }
0x1ca: {  	v12 =	vadd.s32 s5, v0;
	s13 =	sadd.s32 $0x414, s6;
	v3 =	vld.idx.msk [tilespmem:v3+s14+$0x0], $0xffff;
	[tilespmem:s20+$0x280] =	vst v2  }
0x1cb: {  	s9 =	sadd.s32 $0x412, s6;
	v15 =	vadd.s32 s13, v0;
	[tilespmem:s20+$0x380] =	vst v4;
	v7 =	vld.idx.msk [tilespmem:v7+s14+$0x0], $0xffff  }
0x1cc: {  	s7 =	sadd.s32 $0x825, s6;
	[tilespmem:s20+$0x80] =	vst v6;
	v6 =	vadd.s32 s9, v0;
	v4 =	vld.idx.msk [tilespmem:v9+s14+$0x0], $0xffff  }
0x1cd: {  	s4 =	sadd.s32 $0x410, s6;
	s8 =	sadd.s32 $0x827, s6;
	v13 =	vadd.s32 s7, v0;
	[tilespmem:s20+$0x180] =	vst v8;
	v9 =	vld.idx.msk [tilespmem:v10+s14+$0x0], $0xffff  }
0x1ce: {  	s19 =	sadd.s32 $0x823, s6;
	s10 =	sshll.u32 s2, $0x9;
	v2 =	vadd.s32 s4, v0;
	[tilespmem:s20+$0x100] =	vst v5;
	v10 =	vadd.s32 s8, v0;
	v8 =	vld.idx.msk [tilespmem:v14+s14+$0x0], $0xffff  }
0x1cf: {  	s18 =	simm.s32 $0x0;
	s26 =	sadd.s32 s10, s0;
	[tilespmem:s20+$0x200] =	vst v11;
	v11 =	vadd.s32 s19, v0;
	v2 =	vand.u32 $0x7FFFFFF8, v2;
	v12 =	vld.idx.msk [tilespmem:v12+s14+$0x0], $0xffff  }
0x1d0: {  	s22 =	simm.s32 $0x8;
	s21 =	smul.u32 $0x2080, s18;
	[tilespmem:s26+$0x0] =	vst v3;
	v14 =	vld.idx.msk [tilespmem:v15+s14+$0x0], $0xffff;
	v2 =	vor.u32 v1, v2  }
0x1d1: {  	s24 =	sadd.s32 $0x416, s6;
	s25 =	sand.u32 $0x38, s22;
	v6 =	vld.idx.msk [tilespmem:v6+s14+$0x0], $0xffff;
	[tilespmem:s20+$0x290] =	vst v7  }
0x1d2: {  	s17 =	sadd.s32 $0x822, s6;
	s4 =	sor.u32 s25, s21;
	v15 =	vadd.s32 s24, v0;
	[tilespmem:s20+$0x390] =	vst v4;
	v3 =	vld.idx.msk [tilespmem:v13+s14+$0x0], $0xffff  }
0x1d3: {  	s12 =	sadd.s32 $0x820, s6;
	s1 =	sor.u32 $0x2, s4;
	[tilespmem:s20+$0x190] =	vst v8;
	v5 =	vld.idx.msk [tilespmem:v10+s14+$0x0], $0xffff;
	v10 =	vadd.s32 s17, v0  }
0x1d4: {  	s15 =	sadd.s32 $0xC35, s6;
	v7 =	vadd.s32 s12, v0;
	[tilespmem:s20+$0x300] =	vst v9;
	v9 =	vadd.s32 s1, v0;
	v8 =	vld.idx.msk [tilespmem:v11+s14+$0x0], $0xffff  }
0x1d5: {  	v7 =	vand.u32 $0x7FFFFFF8, v7;
	v13 =	vadd.s32 s15, v0;
	v2 =	vld.idx.msk [tilespmem:v2+s14+$0x0], $0xffff  }
0x1d6: {  	s16 =	sadd.s32 $0xC37, s6;
	[tilespmem:s20+$0x90] =	vst v12;
	v4 =	vor.u32 v1, v7  }
0x1d7: {  	s7 =	sadd.s32 $0x826, s6;
	v11 =	vld.idx.msk [tilespmem:v15+s14+$0x0], $0xffff;
	v7 =	vadd.s32 s16, v0;
	[tilespmem:s20+$0x110] =	vst v6  }
0x1d8: {  	s5 =	sadd.s32 $0xC33, s6;
	v12 =	vadd.s32 s7, v0;
	[tilespmem:s20+$0x2A0] =	vst v3;
	v6 =	vld.idx.msk [tilespmem:v10+s14+$0x0], $0xffff  }
0x1d9: {  	s10 =	sor.u32 $0x6, s4;
	v10 =	vadd.s32 s5, v0;
	[tilespmem:s20+$0x1A0] =	vst v8;
	v8 =	vld.idx.msk [tilespmem:v9+s14+$0x0], $0xffff  }
0x1da: {  	s23 =	sadd.s32 $0xC30, s6;
	s11 =	sor.u32 $0x4, s4;
	v16 =	vadd.s32 s10, v0;
	[tilespmem:s26+$0x10] =	vst v2;
	v13 =	vld.idx.msk [tilespmem:v13+s14+$0x0], $0xffff  }
0x1db: {  	s3 =	sadd.s32 $0x821, s6;
	v3 =	vadd.s32 s23, v0;
	[tilespmem:s20+$0x3A0] =	vst v5;
	v9 =	vadd.s32 s11, v0;
	v4 =	vld.idx.msk [tilespmem:v4+s14+$0x0], $0xffff  }
0x1dc: {  	v5 =	vadd.s32 s4, v0;
	[tilespmem:s20+$0x310] =	vst v11;
	v2 =	vand.u32 $0x7FFFFFF8, v3;
	v3 =	vadd.s32 s3, v0;
	v7 =	vld.idx.msk [tilespmem:v7+s14+$0x0], $0xffff  }
0x1dd: {  	v5 =	vand.u32 $0x7FFFFFF8, v5;
	v12 =	vld.idx.msk [tilespmem:v12+s14+$0x0], $0xffff;
	v2 =	vor.u32 v1, v2  }
0x1de: {  	s9 =	sor.u32 $0x5, s4;
	v5 =	vor.u32 v1, v5;
	v10 =	vld.idx.msk [tilespmem:v10+s14+$0x0], $0xffff  }
0x1df: {  	s8 =	sor.u32 $0x3, s4;
	v15 =	vadd.s32 s9, v0;
	[tilespmem:s20+$0x120] =	vst v6;
	v6 =	vld.idx.msk [tilespmem:v16+s14+$0x0], $0xffff  }
0x1e0: {  	s13 =	sadd.s32 $0xC32, s6;
	v9 =	vld.idx.msk [tilespmem:v9+s14+$0x0], $0xffff;
	[tilespmem:s26+$0x20] =	vst v4;
	v4 =	vadd.s32 s8, v0  }
0x1e1: {  	s12 =	sor.u32 $0x1, s4;
	s5 =	sadd.s32 $0x410, s4;
	v3 =	vld.idx.msk [tilespmem:v3+s14+$0x0], $0xffff;
	[tilespmem:s20+$0x2B0] =	vst v13;
	v13 =	vadd.s32 s13, v0  }
0x1e2: {  	[tilespmem:s20+$0x210] =	vst v14;
	s17 =	sadd.s32 $0x1045, s6;
	v11 =	vadd.s32 s12, v0;
	v14 =	vadd.s32 s5, v0;
	v2 =	vld.idx.msk [tilespmem:v2+s14+$0x0], $0xffff  }
0x1e3: {  	v14 =	vand.u32 $0x7FFFFFF8, v14;
	v16 =	vadd.s32 s17, v0;
	v5 =	vld.idx.msk [tilespmem:v5+s14+$0x0], $0xffff  }
0x1e4: {  	s18 =	simm.s32 $0x80;
	s15 =	sadd.s32 $0xC31, s6;
	s16 =	sadd.s32 $0x1040, s6;
	v14 =	vor.u32 v1, v14;
	[tilespmem:s20+$0x3B0] =	vst v7;
	v7 =	vld.idx.msk [tilespmem:v15+s14+$0x0], $0xffff  }
0x1e5: {  	s30 =	simm.s32 $0x1000;
	s19 =	sor.u32 $0x7, s4;
	s1 =	sand.u32 $0x3FFFFC00, s18;
	v17 =	vadd.s32 s15, v0;
	v15 =	vadd.s32 s16, v0;
	[tilespmem:s20+$0x320] =	vst v12;
	v4 =	vld.idx.msk [tilespmem:v4+s14+$0x0], $0xffff  }
0x1e6: {  	s0 =	sshll.u32 s25, $0x9;
	s1 =	sadd.s32 $0x10400, s1;
	v15 =	vand.u32 $0x7FFFFFF8, v15;
	[tilespmem:s20+$0xA0] =	vst v3;
	v3 =	vadd.s32 s19, v0;
	v13 =	vld.idx.msk [tilespmem:v13+s14+$0x0], $0xffff  }
0x1e7: {  	s21 =	sadd.s32 $0x824, s6;
	s31 =	sadd.s32 s0, s1;
	s23 =	sand.u32 $0x7000, s30;
	[tilespmem:s26+$0x30] =	vst v2;
	v2 =	vld.idx.msk [tilespmem:v11+s14+$0x0], $0xffff;
	v11 =	vor.u32 v1, v15  }
0x1e8: {  	s25 =	sadd.s32 $0x1042, s6;
	v16 =	vld.idx.msk [tilespmem:v16+s14+$0x0], $0xffff;
	v15 =	vadd.s32 s21, v0;
	s21 =	sadd.s32 s23, s1;
	[tilespmem:s31+$0x0] =	vst v5  }
0x1e9: {  	s7 =	sadd.s32 $0x415, s4;
	v5 =	vadd.s32 s25, v0;
	[tilespmem:s21+$0x280] =	vst v7;
	v14 =	vld.idx.msk [tilespmem:v14+s14+$0x0], $0xffff  }
0x1ea: {  	s2 =	sadd.s32 $0x413, s4;
	v18 =	vadd.s32 s7, v0;
	[tilespmem:s21+$0x180] =	vst v4;
	v4 =	vld.idx.msk [tilespmem:v17+s14+$0x0], $0xffff  }
0x1eb: {  	s8 =	sadd.s32 $0xC36, s6;
	[tilespmem:s21+$0x100] =	vst v8;
	v17 =	vadd.s32 s2, v0;
	v3 =	vld.idx.msk [tilespmem:v3+s14+$0x0], $0xffff  }
0x1ec: {  	s10 =	sadd.s32 $0x417, s4;
	[tilespmem:s20+$0x130] =	vst v13;
	v7 =	vld.idx.msk [tilespmem:v11+s14+$0x0], $0xffff;
	v11 =	vadd.s32 s8, v0  }
0x1ed: {  	s12 =	sadd.s32 $0x1041, s6;
	v8 =	vadd.s32 s10, v0;
	[tilespmem:s21+$0x80] =	vst v2;
	v2 =	vld.idx.msk [tilespmem:v15+s14+$0x0], $0xffff  }
0x1ee: {  	s9 =	sadd.s32 $0xC34, s6;
	[tilespmem:s21+$0x300] =	vst v6;
	v6 =	vadd.s32 s12, v0;
	v5 =	vld.idx.msk [tilespmem:v5+s14+$0x0], $0xffff  }
0x1ef: {  	s24 =	sadd.s32 $0x411, s4;
	[tilespmem:s21+$0x200] =	vst v9;
	v9 =	vld.idx.msk [tilespmem:v18+s14+$0x0], $0xffff;
	v13 =	vadd.s32 s9, v0  }
0x1f0: {  	s11 =	sadd.s32 $0x1452, s6;
	v12 =	vadd.s32 s24, v0;
	v17 =	vld.idx.msk [tilespmem:v17+s14+$0x0], $0xffff;
	[tilespmem:s21+$0x380] =	vst v3  }
0x1f1: {  	s15 =	sadd.s32 $0x825, s4;
	v3 =	vadd.s32 s11, v0;
	[tilespmem:s20+$0xB0] =	vst v4;
	v11 =	vld.idx.msk [tilespmem:v11+s14+$0x0], $0xffff  }
0x1f2: {  	s18 =	sadd.s32 $0x1043, s6;
	s13 =	sadd.s32 $0x1450, s6;
	v18 =	vadd.s32 s15, v0;
	[tilespmem:s20+$0x220] =	vst v2;
	v8 =	vld.idx.msk [tilespmem:v8+s14+$0x0], $0xffff  }
0x1f3: {  	s16 =	sadd.s32 $0x1046, s6;
	v15 =	vadd.s32 s13, v0;
	[tilespmem:s20+$0x140] =	vst v5;
	v5 =	vld.idx.msk [tilespmem:v6+s14+$0x0], $0xffff;
	v6 =	vadd.s32 s18, v0  }
0x1f4: {  	[tilespmem:s20+$0x1B0] =	vst v10;
	v2 =	vand.u32 $0x7FFFFFF8, v15;
	v4 =	vld.idx.msk [tilespmem:v13+s14+$0x0], $0xffff;
	v13 =	vadd.s32 s16, v0  }
0x1f5: {  	s17 =	sadd.s32 $0x1044, s6;
	v12 =	vld.idx.msk [tilespmem:v12+s14+$0x0], $0xffff;
	[tilespmem:s21+$0x290] =	vst v9;
	v2 =	vor.u32 v1, v2  }
0x1f6: {  	[tilespmem:s26+$0x40] =	vst v7;
	v15 =	vld.idx.msk [tilespmem:v3+s14+$0x0], $0xffff;
	v3 =	vadd.s32 s17, v0  }
0x1f7: {  	s24 =	sadd.s32 $0x414, s4;
	v18 =	vld.idx.msk [tilespmem:v18+s14+$0x0], $0xffff;
	[tilespmem:s21+$0x190] =	vst v17  }
0x1f8: {  	v10 =	vadd.s32 s24, v0;
	s17 =	sadd.s32 $0x412, s4;
	[tilespmem:s20+$0x330] =	vst v11;
	v6 =	vld.idx.msk [tilespmem:v6+s14+$0x0], $0xffff  }
0x1f9: {  	s19 =	sadd.s32 $0x1455, s6;
	[tilespmem:s21+$0x390] =	vst v8;
	v17 =	vadd.s32 s17, v0;
	v11 =	vld.idx.msk [tilespmem:v13+s14+$0x0], $0xffff  }
0x1fa: {  	s8 =	sadd.s32 $0x827, s4;
	v7 =	vadd.s32 s19, v0;
	s18 =	sadd.s32 $0x1C73, s6;
	v2 =	vld.idx.msk [tilespmem:v2+s14+$0x0], $0xffff;
	[tilespmem:s20+$0x230] =	vst v4  }
0x1fb: {  	s23 =	sadd.s32 $0x1860, s6;
	s10 =	sadd.s32 $0xC35, s4;
	v13 =	vadd.s32 s8, v0;
	v3 =	vld.idx.msk [tilespmem:v3+s14+$0x0], $0xffff;
	[smem:$0x7D8] =	sst s18  }
0x1fc: {  	s25 =	sadd.s32 $0x1456, s6;
	v20 =	vadd.s32 s10, v0;
	v9 =	vadd.s32 s23, v0;
	[tilespmem:s20+$0x2C0] =	vst v16  }
0x1fd: {  	v19 =	vadd.s32 s25, v0;
	v9 =	vand.u32 $0x7FFFFFF8, v9;
	v8 =	vld.idx.msk [tilespmem:v10+s14+$0x0], $0xffff;
	[tilespmem:s21+$0x90] =	vst v12  }
0x1fe: {  	s9 =	sadd.s32 $0x1453, s6;
	v9 =	vor.u32 v1, v9;
	[tilespmem:s21+$0x2A0] =	vst v18;
	v17 =	vld.idx.msk [tilespmem:v17+s14+$0x0], $0xffff  }
0x1ff: {  	s12 =	sadd.s32 $0x1865, s6;
	v10 =	vadd.s32 s9, v0;
	[tilespmem:s20+$0x1C0] =	vst v6;
	v12 =	vld.idx.msk [tilespmem:v7+s14+$0x0], $0xffff  }
0x200: {  	[tilespmem:s31+$0x10] =	vst v14;
	v21 =	vld.idx.msk [tilespmem:v13+s14+$0x0], $0xffff;
	v13 =	vadd.s32 s12, v0  }
0x201: {  	[tilespmem:s20+$0x340] =	vst v11;
	v23 =	vld.idx.msk [tilespmem:v20+s14+$0x0], $0xffff  }
0x202: {  	s29 =	sadd.s32 $0x1867, s6;
	s16 =	sadd.s32 $0x1047, s6;
	[tilespmem:s26+$0x50] =	vst v2;
	v18 =	vld.idx.msk [tilespmem:v19+s14+$0x0], $0xffff  }
0x203: {  	s28 =	sadd.s32 $0x1454, s4;
	s7 =	sadd.s32 $0x1863, s6;
	s24 =	sadd.s32 $0x1860, s4;
	v19 =	vadd.s32 s16, v0;
	v20 =	vld.idx.msk [tilespmem:v9+s14+$0x0], $0xffff;
	[tilespmem:s20+$0x240] =	vst v3  }
0x204: {  	s0 =	sadd.s32 $0x1C75, s6;
	v32 =	vadd.s32 s24, v0;
	s24 =	sadd.s32 $0xC32, s4;
	s15 =	sadd.s32 $0x1454, s6;
	v10 =	vld.idx.msk [tilespmem:v10+s14+$0x0], $0xffff;
	[tilespmem:s20+$0x2D0] =	vst v12  }
0x205: {  	v26 =	vadd.s32 s7, v0;
	s7 =	sadd.s32 $0x1456, s4;
	v22 =	vadd.s32 s15, v0;
	v33 =	vld.idx.msk [tilespmem:v13+s14+$0x0], $0xffff;
	[dreg:$0x1c] =	wrdreg s24;
	s24 =	sadd.s32 $0x1045, s4  }
0x206: {  	v28 =	vadd.s32 s0, v0;
	s0 =	sadd.s32 $0x1C73, s4;
	s5 =	sadd.s32 $0x1864, s6;
	[dreg:$0x15] =	wrdreg s24  }
0x207: {  	s3 =	sadd.s32 $0x1861, s6;
	s18 =	sadd.s32 $0xC37, s4;
	s24 =	sadd.s32 $0x1042, s4;
	[tilespmem:s21+$0x3A0] =	vst v21  }
0x208: {  	s17 =	sadd.s32 $0xC30, s4;
	v6 =	vadd.s32 s18, v0;
	s18 =	sadd.s32 $0x823, s4;
	v19 =	vld.idx.msk [tilespmem:v19+s14+$0x0], $0xffff;
	[dreg:$0x18] =	wrdreg s24  }
0x209: {  	s23 =	sadd.s32 $0x1450, s4;
	v16 =	vadd.s32 s17, v0;
	s17 =	sadd.s32 $0x824, s4;
	v13 =	vadd.s32 s18, v0;
	s18 =	sadd.s32 $0x1046, s4;
	[tilespmem:s21+$0x2B0] =	vst v23  }
0x20a: {  	s13 =	sadd.s32 $0x1866, s6;
	v11 =	vadd.s32 s23, v0;
	v2 =	vadd.s32 s17, v0;
	s17 =	sadd.s32 $0x1044, s4;
	v22 =	vld.idx.msk [tilespmem:v22+s14+$0x0], $0xffff;
	[dreg:$0x10] =	wrdreg s18  }
0x20b: {  	v35 =	vadd.s32 s5, v0;
	s5 =	sadd.s32 $0x1864, s4;
	v3 =	vand.u32 $0x7FFFFFF8, v11;
	v11 =	vadd.s32 s13, v0;
	[dreg:$0x8] =	wrdreg s17;
	s18 =	sadd.s32 $0x1043, s4  }
0x20c: {  	s11 =	sadd.s32 $0x1451, s6;
	s19 =	sadd.s32 $0x820, s4;
	[dreg:$0xe] =	wrdreg s18  }
0x20d: {  	v29 =	vadd.s32 s3, v0;
	s3 =	sadd.s32 $0x1862, s4;
	s1 =	sadd.s32 $0x1C74, s6;
	v7 =	vadd.s32 s19, v0;
	v9 =	vadd.s32 s11, v0;
	s17 =	sadd.s32 $0x1455, s4;
	[tilespmem:s20+$0x350] =	vst v18  }
0x20e: {  	s25 =	sadd.s32 $0x1C71, s6;
	s2 =	sadd.s32 $0x1862, s6;
	v24 =	vand.u32 $0x7FFFFFF8, v7;
	v34 =	vld.idx.msk [tilespmem:v6+s14+$0x0], $0xffff;
	[dreg:$0xb] =	wrdreg s17  }
0x20f: {  	s10 =	sadd.s32 $0x1C70, s6;
	s15 =	sadd.s32 $0x826, s4;
	v30 =	vadd.s32 s2, v0;
	s2 =	sadd.s32 $0x1C77, s6;
	v25 =	vor.u32 v1, v24;
	[tilespmem:s20+$0xC0] =	vst v5  }
0x210: {  	s8 =	sadd.s32 $0x1457, s6;
	v4 =	vadd.s32 s10, v0;
	s10 =	sadd.s32 $0x1C72, s6;
	v23 =	vld.idx.msk [tilespmem:v11+s14+$0x0], $0xffff;
	[dreg:$0xc] =	wrdreg s7  }
0x211: {  	v27 =	vadd.s32 s8, v0;
	s8 =	sadd.s32 $0x1047, s4;
	s9 =	sadd.s32 $0x1C76, s6;
	s6 =	sadd.s32 $0x1C77, s4;
	[tilespmem:s21+$0x110] =	vst v17  }
0x212: {  	s12 =	sadd.s32 $0xC34, s4;
	s19 =	sadd.s32 $0xC31, s4;
	v24 =	vld.idx.msk [tilespmem:v9+s14+$0x0], $0xffff;
	[dreg:$0x1a] =	wrdreg s8  }
0x213: {  	s23 =	sadd.s32 $0x1040, s4;
	s16 =	sadd.s32 $0x416, s4;
	v5 =	vadd.s32 s12, v0;
	s12 =	sadd.s32 $0x1451, s4;
	[tilespmem:s20+$0x1D0] =	vst v10  }
0x214: {  	v7 =	vadd.s32 s23, v0;
	s23 =	sadd.s32 $0x821, s4;
	s13 =	sadd.s32 $0xC36, s4;
	v21 =	vld.idx.msk [tilespmem:v25+s14+$0x0], $0xffff;
	[dreg:$0x12] =	wrdreg s12  }
0x215: {  	s11 =	sadd.s32 $0x822, s4;
	v14 =	vadd.s32 s16, v0;
	s16 =	smov.u32 s31;
	v6 =	vadd.s32 s13, v0;
	s13 =	sadd.s32 $0x1457, s4;
	[tilespmem:s20+$0x3C0] =	vst v19  }
0x216: {  	v31 =	vand.u32 $0x7FFFFFF8, v16;
	s31 =	sadd.s32 $0x1041, s4;
	v36 =	vadd.s32 s11, v0;
	s11 =	sadd.s32 $0xC33, s4;
	v26 =	vld.idx.msk [tilespmem:v26+s14+$0x0], $0xffff;
	[dreg:$0x16] =	wrdreg s13  }
0x217: {  	v16 =	vadd.s32 s23, v0;
	s23 =	sadd.s32 $0x1453, s4;
	v12 =	vadd.s32 s11, v0;
	s11 =	sadd.s32 $0x1C74, s4;
	s18 =	sadd.s32 $0x1C70, s4;
	[tilespmem:s20+$0x250] =	vst v22  }
0x218: {  	s24 =	sadd.s32 $0x1452, s4;
	v18 =	vadd.s32 s18, v0;
	s17 =	sadd.s32 $0x1865, s4;
	s18 =	sld [smem:$0x7D8]  }
0x219: {  	v11 =	vadd.s32 s15, v0;
	s15 =	sadd.s32 $0x1866, s4;
	s7 =	sadd.s32 $0x1C75, s4;
	v9 =	vadd.s32 s19, v0;
	s19 =	sadd.s32 $0x1C76, s4;
	v25 =	vld.idx.msk [tilespmem:v27+s14+$0x0], $0xffff;
	[tilespmem:s20+$0x2E0] =	vst v33  }
0x21a: {  	v4 =	vand.u32 $0x7FFFFFF8, v4;
	v18 =	vand.u32 $0x7FFFFFF8, v18;
	s8 =	sadd.s32 $0x1867, s4;
	v10 =	vand.u32 $0x7FFFFFF8, v32;
	s12 =	sadd.s32 $0x1863, s4;
	v19 =	vld.idx.msk [tilespmem:v35+s14+$0x0], $0xffff;
	[dreg:$0x6] =	wrdreg s19  }
0x21b: {  	v17 =	vor.u32 v1, v31;
	s13 =	sadd.s32 $0x1861, s4;
	s19 =	sadd.s32 $0x1C72, s4;
	v22 =	vld.idx.msk [tilespmem:v36+s14+$0x0], $0xffff;
	[tilespmem:s21+$0x3B0] =	vst v34;
	v27 =	vadd.s32 s18, v0;
	s18 =	sadd.s32 $0x1C71, s4  }
.LBB2_9:
0x21c: {  	[smem:$0x7BE] =	sst s31  }
0x21d: {  	[smem:$0x7B9] =	sst s11  }
0x21e: {  	[smem:$0x7C2] =	sst s23  }
0x21f: {  	[smem:$0x7C3] =	sst s17  }
0x220: {  	[smem:$0x7BC] =	sst s6  }
0x221: {  	[smem:$0x7C7] =	sst s15  }
0x222: {  	[smem:$0x7C5] =	sst s28  }
0x223: {  	[smem:$0x7CA] =	sst s12  }
0x224: {  	[smem:$0x7D1] =	sst s13  }
0x225: {  	[smem:$0x7D3] =	sst s0  }
0x226: {  	[smem:$0x7CD] =	sst s5  }
0x227: {  	[dreg:$0x1f] =	wrdreg s7  }
0x228: {  	[dreg:$0x1d] =	wrdreg s3;
	s22 =	sadd.s32 $0x8, s22;
	[tilespmem:s20+$0x150] =	vst v15  }
0x229: {  	v16 =	vld.idx.msk [tilespmem:v16+s14+$0x0], $0xffff;
	s6 =	smov.u32 s8;
	s8 =	smov.u32 s18;
	[tilespmem:s20+$0x360] =	vst v23;
	s5 =	sshrl.u32 s22, $0x6  }
0x22a: {  	s30 =	sadd.s32 $0x1000, s30;
	s4 =	sshll.u32 s22, $0x4;
	[tilespmem:s20+$0xD0] =	vst v24;
	v23 =	vld.idx.msk [tilespmem:v28+s14+$0x0], $0xffff;
	s3 =	smul.u32 $0x2080, s5  }
0x22b: {  	[tilespmem:s26+$0x60] =	vst v20;
	[smem:$0x7BB] =	sst s6;
	s7 =	sand.u32 $0x38, s22;
	s4 =	sand.u32 $0x3FFFFC00, s4;
	v24 =	vld.idx.msk [tilespmem:v29+s14+$0x0], $0xffff  }
0x22c: {  	v28 =	vor.u32 v1, v4;
	[smem:$0x7BD] =	sst s8;
	v29 =	vld.idx.msk [tilespmem:v30+s14+$0x0], $0xffff;
	s4 =	sadd.s32 $0x10400, s4;
	[tilespmem:s20+$0x1E0] =	vst v26;
	s6 =	sor.u32 s7, s3  }
0x22d: {  	v14 =	vld.idx.msk [tilespmem:v14+s14+$0x0], $0xffff;
	v26 =	vadd.s32 s29, v0;
	s7 =	sshll.u32 s7, $0x9;
	[tilespmem:s20+$0x3D0] =	vst v25;
	s29 =	smov.u32 s19;
	s3 =	sor.u32 $0x2, s6  }
0x22e: {  	v15 =	vadd.s32 s25, v0;
	[tilespmem:s21+$0x120] =	vst v22;
	v22 =	vadd.s32 s1, v0;
	v27 =	vld.idx.msk [tilespmem:v27+s14+$0x0], $0xffff;
	s11 =	sor.u32 $0x3, s6;
	s25 =	sor.u32 $0x4, s6;
	s12 =	sadd.s32 $0x820, s6  }
0x22f: {  	v4 =	vmov v18;
	[tilespmem:s16+$0x20] =	vst v21;
	v25 =	vadd.s32 s9, v0;
	v18 =	vadd.s32 s6, v0;
	s13 =	sor.u32 $0x1, s6;
	s15 =	sor.u32 $0x6, s6;
	v13 =	vld.idx.msk [tilespmem:v13+s14+$0x0], $0xffff;
	s23 =	sadd.s32 $0xC34, s6  }
0x230: {  	v21 =	vadd.s32 s10, v0;
	[tilespmem:s20+$0x260] =	vst v19;
	s17 =	sadd.s32 $0x410, s6;
	s5 =	sadd.s32 $0xC36, s6;
	v17 =	vld.idx.msk [tilespmem:v17+s14+$0x0], $0xffff;
	v18 =	vand.u32 $0x7FFFFFF8, v18;
	v31 =	vadd.s32 s15, v0;
	[smem:$0x7BA] =	sst s23  }
0x231: {  	s10 =	sadd.s32 $0xC37, s6;
	v28 =	vld.idx.msk [tilespmem:v28+s14+$0x0], $0xffff;
	v35 =	vadd.s32 s25, v0;
	s25 =	sor.u32 $0x5, s6;
	[smem:$0x7BF] =	sst s5;
	v30 =	vor.u32 v1, v18;
	v18 =	vadd.s32 s12, v0;
	[tilespmem:s20+$0xE0] =	vst v24  }
0x232: {  	s18 =	sadd.s32 $0xC30, s6;
	[smem:$0x7C0] =	sst s10;
	s15 =	sadd.s32 $0x822, s6;
	v36 =	vadd.s32 s25, v0;
	[tilespmem:s20+$0x160] =	vst v29;
	v20 =	vld.idx.msk [tilespmem:v26+s14+$0x0], $0xffff;
	v26 =	vadd.s32 s17, v0  }
0x233: {  	s23 =	sadd.s32 $0x1450, s6;
	s10 =	sadd.s32 $0x413, s6;
	v29 =	vadd.s32 s13, v0;
	s13 =	sadd.s32 $0x412, s6;
	v34 =	vld.idx.msk [tilespmem:v15+s14+$0x0], $0xffff;
	[tilespmem:s21+$0xA0] =	vst v16;
	v24 =	vand.u32 $0x7FFFFFF8, v26;
	v26 =	vadd.s32 s11, v0  }
0x234: {  	[smem:$0x7CF] =	sst s15;
	s25 =	smov.u32 s24;
	v32 =	vand.u32 $0x7FFFFFF8, v18;
	v18 =	vadd.s32 s18, v0;
	s18 =	sadd.s32 $0x416, s6;
	v25 =	vld.idx.msk [tilespmem:v25+s14+$0x0], $0xffff;
	[tilespmem:s21+$0x310] =	vst v14;
	v14 =	vadd.s32 s23, v0  }
0x235: {  	v33 =	vadd.s32 s3, v0;
	s24 =	smov.u32 s26;
	[smem:$0x7C1] =	sst s13;
	v16 =	vld.idx.msk [tilespmem:v22+s14+$0x0], $0xffff;
	[tilespmem:s21+$0x1A0] =	vst v13;
	v22 =	vand.u32 $0x7FFFFFF8, v14;
	v14 =	vadd.s32 s18, v0;
	s18 =	sadd.s32 $0x1047, s6  }
0x236: {  	v38 =	vadd.s32 s10, v0;
	s10 =	sand.u32 $0x7000, s30;
	v21 =	vld.idx.msk [tilespmem:v21+s14+$0x0], $0xffff;
	s11 =	sor.u32 $0x7, s6;
	[tilespmem:s20+$0x1F0] =	vst v27;
	[smem:$0x7C4] =	sst s18  }
0x237: {  	s18 =	sadd.s32 $0x1866, s6;
	v30 =	vld.idx.msk [tilespmem:v30+s14+$0x0], $0xffff;
	[tilespmem:s24+$0x70] =	vst v28;
	s24 =	sadd.s32 s10, s4;
	s10 =	rddreg [dreg:$0x1c]  }
0x238: {  	v37 =	vadd.s32 s11, v0;
	s11 =	sadd.s32 s7, s4;
	[tilespmem:s16+$0x30] =	vst v17;
	[smem:$0x7C8] =	sst s18;
	v17 =	vld.idx.msk [tilespmem:v26+s14+$0x0], $0xffff;
	v26 =	vadd.s32 s10, v0;
	s10 =	sadd.s32 $0x1454, s6  }
0x239: {  	v19 =	vadd.s32 s2, v0;
	v11 =	vld.idx.msk [tilespmem:v11+s14+$0x0], $0xffff;
	s7 =	sadd.s32 $0x1860, s6;
	s18 =	sadd.s32 $0x417, s6;
	[smem:$0x7C6] =	sst s10  }
0x23a: {  	s19 =	sadd.s32 $0xC32, s6;
	v33 =	vld.idx.msk [tilespmem:v33+s14+$0x0], $0xffff;
	v46 =	vadd.s32 s18, v0;
	s18 =	sadd.s32 $0x1861, s6;
	[tilespmem:s20+$0x370] =	vst v25;
	v25 =	vadd.s32 s7, v0;
	s10 =	rddreg [dreg:$0x15]  }
0x23b: {  	s9 =	sadd.s32 $0x826, s6;
	[tilespmem:s20+$0x170] =	vst v21;
	[smem:$0x7D2] =	sst s18;
	v21 =	vand.u32 $0x7FFFFFF8, v25;
	v25 =	vld.idx.msk [tilespmem:v31+s14+$0x0], $0xffff;
	v31 =	vadd.s32 s10, v0;
	s10 =	smov.u32 s19  }
0x23c: {  	[tilespmem:s20+$0x2F0] =	vst v23;
	s13 =	sadd.s32 $0x1045, s6;
	s19 =	sadd.s32 $0x1451, s6;
	[dreg:$0x1c] =	wrdreg s10  }
0x23d: {  	s17 =	sadd.s32 $0x1040, s6;
	v45 =	vld.idx.msk [tilespmem:v35+s14+$0x0], $0xffff;
	[tilespmem:s20+$0x3E0] =	vst v20;
	[smem:$0x7C9] =	sst s19;
	s19 =	sadd.s32 $0x1863, s6  }
0x23e: {  	s28 =	sadd.s32 $0x411, s6;
	v15 =	vor.u32 v1, v24;
	v24 =	vadd.s32 s17, v0;
	[tilespmem:s20+$0xF0] =	vst v34;
	v13 =	vld.idx.msk [tilespmem:v19+s14+$0x0], $0xffff;
	s10 =	smov.u32 s13;
	[smem:$0x7CB] =	sst s19  }
0x23f: {  	v47 =	vand.u32 $0x7FFFFFF8, v7;
	s1 =	sadd.s32 $0x827, s6;
	[tilespmem:s21+$0x210] =	vst v8;
	v7 =	vmov v24;
	v24 =	vld.idx.msk [tilespmem:v29+s14+$0x0], $0xffff;
	s13 =	sadd.s32 $0x1457, s6;
	[dreg:$0x15] =	wrdreg s10  }
0x240: {  	s31 =	sadd.s32 $0xC31, s6;
	[tilespmem:s20+$0x270] =	vst v16;
	s19 =	sadd.s32 $0x1864, s6;
	[smem:$0x7CC] =	sst s13  }
0x241: {  	s2 =	sadd.s32 $0x821, s6;
	v28 =	vld.idx.msk [tilespmem:v36+s14+$0x0], $0xffff;
	[tilespmem:s21+$0x320] =	vst v11;
	s10 =	sadd.s32 $0x1C75, s6;
	[smem:$0x7CE] =	sst s19  }
0x242: {  	s3 =	sadd.s32 $0x1041, s6;
	v29 =	vor.u32 v1, v47;
	[tilespmem:s11+$0x0] =	vst v30;
	[smem:$0x7D0] =	sst s10;
	s19 =	sadd.s32 $0x1C73, s6  }
0x243: {  	s26 =	sadd.s32 $0x1042, s6;
	v23 =	vld.idx.msk [tilespmem:v12+s14+$0x0], $0xffff;
	v12 =	vadd.s32 s28, v0;
	[tilespmem:s20+$0x3F0] =	vst v13;
	s20 =	sadd.s32 $0x825, s6;
	[smem:$0x7D4] =	sst s19  }
0x244: {  	v39 =	vld.idx.msk [tilespmem:v9+s14+$0x0], $0xffff;
	[tilespmem:s24+$0x80] =	vst v24;
	s10 =	sadd.s32 $0x1C70, s6;
	s19 =	sadd.s32 $0x1862, s6;
	v49 =	vadd.s32 s20, v0;
	s20 =	rddreg [dreg:$0x18]  }
0x245: {  	s17 =	sadd.s32 $0x415, s6;
	[tilespmem:s24+$0x180] =	vst v17;
	[smem:$0x7D5] =	sst s19;
	v30 =	vld.idx.msk [tilespmem:v31+s14+$0x0], $0xffff;
	v31 =	vadd.s32 s10, v0;
	s10 =	smov.u32 s26  }
0x246: {  	v27 =	vadd.s32 s17, v0;
	v26 =	vld.idx.msk [tilespmem:v26+s14+$0x0], $0xffff;
	v9 =	vadd.s32 s20, v0;
	[tilespmem:s24+$0x280] =	vst v28;
	s20 =	smov.u32 s21;
	s21 =	smov.u32 s24;
	s24 =	rddreg [dreg:$0x6]  }
0x247: {  	v11 =	vadd.s32 s9, v0;
	s9 =	sadd.s32 $0xC33, s6;
	s13 =	sadd.s32 $0x1C72, s6;
	v8 =	vld.idx.msk [tilespmem:v29+s14+$0x0], $0xffff;
	[dreg:$0x18] =	wrdreg s10  }
0x248: {  	v29 =	vld.idx.msk [tilespmem:v12+s14+$0x0], $0xffff;
	v12 =	vadd.s32 s9, v0;
	s19 =	sadd.s32 $0x1C76, s6;
	s9 =	smov.u32 s24;
	s24 =	sld [smem:$0x7BA]  }
0x249: {  	s10 =	smov.u32 s19;
	s19 =	smov.u32 s13;
	s13 =	sld [smem:$0x7BE]  }
0x24a: {  	s26 =	smov.u32 s16;
	s16 =	smov.u32 s11;
	v28 =	vld.idx.msk [tilespmem:v2+s14+$0x0], $0xffff;
	s11 =	sld [smem:$0x7B9];
	[tilespmem:s21+$0x300] =	vst v25  }
0x24b: {  	s5 =	sadd.s32 $0x1452, s6;
	v18 =	vand.u32 $0x7FFFFFF8, v18;
	v27 =	vld.idx.msk [tilespmem:v27+s14+$0x0], $0xffff;
	[tilespmem:s20+$0x130] =	vst v26;
	v26 =	vadd.s32 s24, v0;
	s24 =	sld [smem:$0x7BC]  }
0x24c: {  	s4 =	sadd.s32 $0x1043, s6;
	v16 =	vadd.s32 s2, v0;
	s2 =	sadd.s32 $0x1C74, s6;
	v24 =	vadd.s32 s1, v0;
	[tilespmem:s21+$0x100] =	vst v33;
	v25 =	vadd.s32 s13, v0;
	s13 =	sld [smem:$0x7C0]  }
0x24d: {  	v17 =	vor.u32 v1, v18;
	v18 =	vand.u32 $0x7FFFFFF8, v31;
	s1 =	smov.u32 s11;
	v31 =	vld.idx.msk [tilespmem:v9+s14+$0x0], $0xffff;
	v9 =	vadd.s32 s31, v0;
	s31 =	smov.u32 s3;
	s3 =	rddreg [dreg:$0x10]  }
0x24e: {  	[tilespmem:s21+$0x200] =	vst v45;
	s11 =	smov.u32 s2;
	v40 =	vadd.s32 s3, v0;
	s3 =	smov.u32 s4;
	s4 =	sld [smem:$0x7C3]  }
0x24f: {  	[tilespmem:s20+$0x220] =	vst v28;
	s2 =	smov.u32 s24;
	s24 =	smov.u32 s5;
	s5 =	sld [smem:$0x7BF]  }
0x250: {  	[tilespmem:s21+$0x290] =	vst v27;
	v28 =	vadd.s32 s13, v0;
	s13 =	rddreg [dreg:$0x8]  }
0x251: {  	s15 =	sadd.s32 $0x1046, s6;
	s23 =	sadd.s32 $0x1044, s6;
	v27 =	vld.idx.msk [tilespmem:v49+s14+$0x0], $0xffff;
	[tilespmem:s20+$0x2C0] =	vst v30;
	v30 =	vor.u32 v1, v10;
	v10 =	vmov v21;
	v21 =	vadd.s32 s4, v0;
	s4 =	sld [smem:$0x7C8]  }
0x252: {  	v53 =	vld.idx.msk [tilespmem:v6+s14+$0x0], $0xffff;
	v6 =	vadd.s32 s5, v0;
	s5 =	smov.u32 s15;
	s15 =	smov.u32 s23;
	s23 =	rddreg [dreg:$0xe]  }
0x253: {  	[dreg:$0xe] =	wrdreg s3  }
0x254: {  	v37 =	vld.idx.msk [tilespmem:v37+s14+$0x0], $0xffff;
	s3 =	sld [smem:$0x7C2]  }
0x255: {  	[dreg:$0x10] =	wrdreg s5  }
0x256: {  	s17 =	sadd.s32 $0x1455, s6;
	[dreg:$0x8] =	wrdreg s15  }
0x257: {  	v56 =	vor.u32 v1, v3;
	s12 =	sadd.s32 $0x414, s6;
	v3 =	vmov v22;
	v22 =	vadd.s32 s13, v0;
	s13 =	smov.u32 s17;
	s5 =	rddreg [dreg:$0xb]  }
0x258: {  	v20 =	vadd.s32 s12, v0;
	s12 =	sadd.s32 $0x1456, s6;
	v50 =	vld.idx.msk [tilespmem:v38+s14+$0x0], $0xffff;
	[dreg:$0xb] =	wrdreg s13  }
0x259: {  	[tilespmem:s21+$0x380] =	vst v37;
	v55 =	vld.idx.msk [tilespmem:v5+s14+$0x0], $0xffff;
	s17 =	smov.u32 s12;
	s15 =	rddreg [dreg:$0xc]  }
0x25a: {  	[tilespmem:s20+$0xB0] =	vst v39;
	v5 =	vmov v26;
	v26 =	vld.idx.msk [tilespmem:v46+s14+$0x0], $0xffff;
	[dreg:$0xc] =	wrdreg s17  }
0x25b: {  	s7 =	sadd.s32 $0x1865, s6;
	[tilespmem:s20+$0x1B0] =	vst v23;
	v23 =	vld.idx.msk [tilespmem:v25+s14+$0x0], $0xffff;
	v25 =	vadd.s32 s23, v0;
	s23 =	sld [smem:$0x7C1]  }
0x25c: {  	s0 =	sadd.s32 $0x824, s6;
	v54 =	vld.idx.msk [tilespmem:v15+s14+$0x0], $0xffff;
	[tilespmem:s26+$0x40] =	vst v8;
	s17 =	smov.u32 s7;
	s7 =	sld [smem:$0x7C4]  }
0x25d: {  	s8 =	sadd.s32 $0x823, s6;
	v48 =	vadd.s32 s0, v0;
	s0 =	sadd.s32 $0x1C77, s6;
	[tilespmem:s20+$0x140] =	vst v31;
	s13 =	sld [smem:$0x7C5]  }
0x25e: {  	s28 =	sadd.s32 $0x1453, s6;
	s18 =	sadd.s32 $0x1C71, s6;
	[tilespmem:s20+$0x230] =	vst v55;
	v31 =	vadd.s32 s5, v0;
	s5 =	rddreg [dreg:$0x1a]  }
0x25f: {  	v13 =	vadd.s32 s8, v0;
	s8 =	sadd.s32 $0x1867, s6;
	s6 =	sadd.s32 $0xC35, s6;
	[tilespmem:s21+$0x390] =	vst v26;
	v26 =	vadd.s32 s15, v0;
	v8 =	vld.idx.msk [tilespmem:v20+s14+$0x0], $0xffff;
	s15 =	sld [smem:$0x7C6]  }
0x260: {  	v51 =	vadd.s32 s6, v0;
	v22 =	vld.idx.msk [tilespmem:v22+s14+$0x0], $0xffff;
	v20 =	vadd.s32 s3, v0;
	s3 =	sld [smem:$0x7C7]  }
0x261: {  	v35 =	vld.idx.msk [tilespmem:v56+s14+$0x0], $0xffff;
	[tilespmem:s21+$0x190] =	vst v50;
	v58 =	vadd.s32 s23, v0;
	s12 =	smov.u32 s7;
	s7 =	sld [smem:$0x7C9]  }
0x262: {  	[tilespmem:s20+$0x330] =	vst v53;
	s23 =	smov.u32 s28;
	[dreg:$0x1a] =	wrdreg s12;
	v25 =	vld.idx.msk [tilespmem:v25+s14+$0x0], $0xffff  }
0x263: {  	[tilespmem:s21+$0x90] =	vst v29;
	s28 =	smov.u32 s15;
	s15 =	smov.u32 s4;
	s4 =	rddreg [dreg:$0x16];
	v29 =	vld.idx.msk [tilespmem:v31+s14+$0x0], $0xffff  }
0x264: {  	v57 =	vld.idx.msk [tilespmem:v40+s14+$0x0], $0xffff;
	v62 =	vadd.s32 s4, v0;
	s4 =	sld [smem:$0x7CF];
	[tilespmem:s21+$0x2A0] =	vst v27  }
0x265: {  	s12 =	smov.u32 s7;
	v27 =	vld.idx.msk [tilespmem:v51+s14+$0x0], $0xffff;
	[tilespmem:s20+$0x240] =	vst v22;
	v22 =	vadd.s32 s5, v0;
	s5 =	rddreg [dreg:$0x12]  }
0x266: {  	v52 =	vadd.s32 s25, v0;
	[tilespmem:s26+$0x50] =	vst v35;
	[dreg:$0x12] =	wrdreg s12;
	v31 =	vld.idx.msk [tilespmem:v58+s14+$0x0], $0xffff  }
0x267: {  	v24 =	vld.idx.msk [tilespmem:v24+s14+$0x0], $0xffff;
	[tilespmem:s20+$0x1C0] =	vst v25;
	v25 =	vadd.s32 s13, v0;
	s13 =	sld [smem:$0x7CA]  }
0x268: {  	v59 =	vld.idx.msk [tilespmem:v20+s14+$0x0], $0xffff;
	[tilespmem:s20+$0x2D0] =	vst v29;
	v29 =	vadd.s32 s3, v0;
	s3 =	sld [smem:$0x7CB]  }
0x269: {  	v20 =	vld.idx.msk [tilespmem:v30+s14+$0x0], $0xffff;
	v30 =	vadd.s32 s5, v0;
	s5 =	sld [smem:$0x7CC]  }
0x26a: {  	v60 =	vld.idx.msk [tilespmem:v21+s14+$0x0], $0xffff;
	[tilespmem:s21+$0x2B0] =	vst v27;
	v27 =	vadd.s32 s13, v0;
	s13 =	sld [smem:$0x7CD]  }
0x26b: {  	v15 =	vld.idx.msk [tilespmem:v52+s14+$0x0], $0xffff;
	[tilespmem:s21+$0x110] =	vst v31;
	v31 =	vadd.s32 s4, v0;
	s4 =	sld [smem:$0x7D2]  }
0x26c: {  	v19 =	vor.u32 v1, v32;
	[tilespmem:s20+$0x340] =	vst v57;
	s12 =	smov.u32 s3;
	s7 =	smov.u32 s5;
	s3 =	sld [smem:$0x7CE]  }
0x26d: {  	v26 =	vld.idx.msk [tilespmem:v26+s14+$0x0], $0xffff;
	[dreg:$0x16] =	wrdreg s7  }
0x26e: {  	[tilespmem:s21+$0x3A0] =	vst v24;
	v63 =	vadd.s32 s13, v0;
	s13 =	sld [smem:$0x7D0]  }
0x26f: {  	v61 =	vld.idx.msk [tilespmem:v28+s14+$0x0], $0xffff;
	s7 =	rddreg [dreg:$0x1f]  }
0x270: {  	[tilespmem:s16+$0x10] =	vst v54;
	v22 =	vld.idx.msk [tilespmem:v22+s14+$0x0], $0xffff;
	s5 =	smov.u32 s3;
	s3 =	sld [smem:$0x7D1]  }
0x271: {  	v21 =	vld.idx.msk [tilespmem:v19+s14+$0x0], $0xffff;
	v28 =	vadd.s32 s7, v0;
	s7 =	smov.u32 s13;
	s13 =	smov.u32 s4;
	s4 =	sld [smem:$0x7D4]  }
0x272: {  	[tilespmem:s20+$0x350] =	vst v26;
	v25 =	vld.idx.msk [tilespmem:v25+s14+$0x0], $0xffff  }
0x273: {  	p0 =	slt.u32 s22, $0xF8;
	s6 =	smov.u32 s0;
	[tilespmem:s20+$0xC0] =	vst v23;
	v23 =	vld.idx.msk [tilespmem:v29+s14+$0x0], $0xffff;
	v29 =	vadd.s32 s3, v0;
	s3 =	sld [smem:$0x7D3]  }
.Ltmp3:
0x274: {  	v24 =	vld.idx.msk [tilespmem:v30+s14+$0x0], $0xffff;
	[tilespmem:s20+$0x1D0] =	vst v59;
	s0 =	smov.u32 s4;
	s4 =	rddreg [dreg:$0x1d];
	(pc) =	sbr.rel @p0 .LBB2_9-.Ltmp3, $4  }
0x275: {  	[tilespmem:s20+$0x3C0] =	vst v22;
	v26 =	vld.idx.msk [tilespmem:v27+s14+$0x0], $0xffff;
	v30 =	vadd.s32 s4, v0;
	s4 =	sld [smem:$0x7D5]  }
0x276: {  	s25 =	sld [smem:$0x7BD];
	[tilespmem:s20+$0x2E0] =	vst v60;
	v22 =	vld.idx.msk [tilespmem:v31+s14+$0x0], $0xffff  }
0x277: {  	[dreg:$0x6] =	wrdreg s10;
	[tilespmem:s20+$0x250] =	vst v25;
	v25 =	vld.idx.msk [tilespmem:v62+s14+$0x0], $0xffff  }
0x278: {  	v2 =	vmov v48;
	s10 =	smov.u32 s29;
	s29 =	sld [smem:$0x7BB];
	[tilespmem:s21+$0x3B0] =	vst v61;
	v19 =	vld.idx.msk [tilespmem:v63+s14+$0x0], $0xffff;
	v27 =	vadd.s32 s3, v0;
	s3 =	smov.u32 s4  }
0x279: {  	v4 =	vor.u32 v1, v4;
	_ =	sdelay $0x1  }
0x27a: {  	[tilespmem:s26+$0x60] =	vst v20  }
0x27b: {  	[tilespmem:s16+$0x20] =	vst v21  }
0x27c: {  	v7 =	vand.u32 $0x7FFFFFF8, v7;
	[tilespmem:s20+$0xD0] =	vst v24;
	v17 =	vld.idx.msk [tilespmem:v17+s14+$0x0], $0xffff  }
0x27d: {  	[tilespmem:s20+$0x360] =	vst v23;
	v55 =	vor.u32 v1, v7;
	v4 =	vld.idx.msk [tilespmem:v4+s14+$0x0], $0xffff  }
0x27e: {  	[tilespmem:s20+$0x150] =	vst v15;
	v56 =	vadd.s32 s29, v0  }
0x27f: {  	v59 =	vld.idx.msk [tilespmem:v28+s14+$0x0], $0xffff;
	[tilespmem:s20+$0x1E0] =	vst v26  }
0x280: {  	v14 =	vld.idx.msk [tilespmem:v14+s14+$0x0], $0xffff;
	[tilespmem:s20+$0x3D0] =	vst v25  }
0x281: {  	v58 =	vadd.s32 s9, v0;
	v15 =	vld.idx.msk [tilespmem:v30+s14+$0x0], $0xffff;
	[tilespmem:s16+$0x30] =	vst v17  }
0x282: {  	v60 =	vadd.s32 s10, v0;
	[tilespmem:s26+$0x70] =	vst v4;
	v4 =	vld.idx.msk [tilespmem:v55+s14+$0x0], $0xffff  }
0x283: {  	v3 =	vor.u32 v1, v3;
	[tilespmem:s20+$0x260] =	vst v19;
	v7 =	vld.idx.msk [tilespmem:v56+s14+$0x0], $0xffff  }
0x284: {  	v61 =	vadd.s32 s2, v0;
	v57 =	vld.idx.msk [tilespmem:v29+s14+$0x0], $0xffff;
	[tilespmem:s20+$0x2F0] =	vst v59  }
0x285: {  	v63 =	vld.idx.msk [tilespmem:v27+s14+$0x0], $0xffff;
	[tilespmem:s21+$0x310] =	vst v14  }
0x286: {  	v62 =	vadd.s32 s25, v0;
	v25 =	vld.idx.msk [tilespmem:v58+s14+$0x0], $0xffff;
	[tilespmem:s20+$0x160] =	vst v15  }
0x287: {  	v27 =	vld.idx.msk [tilespmem:v60+s14+$0x0], $0xffff;
	[tilespmem:s16+$0x40] =	vst v4  }
0x288: {  	v26 =	vadd.s32 s1, v0;
	[tilespmem:s20+$0x3E0] =	vst v7;
	v3 =	vld.idx.msk [tilespmem:v3+s14+$0x0], $0xffff  }
0x289: {  	v28 =	vor.u32 v1, v10;
	[tilespmem:s20+$0xE0] =	vst v57;
	v29 =	vld.idx.msk [tilespmem:v61+s14+$0x0], $0xffff  }
0x28a: {  	[tilespmem:s20+$0x1F0] =	vst v63  }
0x28b: {  	v30 =	vld.idx.msk [tilespmem:v62+s14+$0x0], $0xffff;
	[tilespmem:s20+$0x370] =	vst v25  }
0x28c: {  	[tilespmem:s20+$0x170] =	vst v27  }
0x28d: {  	v4 =	vld.idx.msk [tilespmem:v26+s14+$0x0], $0xffff;
	[tilespmem:s16+$0x50] =	vst v3  }
0x28e: {  	[tilespmem:s20+$0x3F0] =	vst v29;
	v3 =	vld.idx.msk [tilespmem:v28+s14+$0x0], $0xffff  }
0x28f: {  	v31 =	vor.u32 v1, v18;
	s29 =	rddreg [dreg:$0x1c]  }
0x290: {  	v11 =	vld.idx.msk [tilespmem:v11+s14+$0x0], $0xffff;
	[tilespmem:s20+$0xF0] =	vst v30;
	v32 =	vadd.s32 s29, v0  }
0x291: {  	v13 =	vld.idx.msk [tilespmem:v13+s14+$0x0], $0xffff;
	[tilespmem:s21+$0x210] =	vst v8  }
0x292: {  	[tilespmem:s20+$0x270] =	vst v4;
	v2 =	vld.idx.msk [tilespmem:v2+s14+$0x0], $0xffff  }
0x293: {  	v33 =	vld.idx.msk [tilespmem:v16+s14+$0x0], $0xffff;
	[tilespmem:s16+$0x60] =	vst v3  }
0x294: {  	[tilespmem:s21+$0x120] =	vst v22;
	v3 =	vld.idx.msk [tilespmem:v31+s14+$0x0], $0xffff  }
0x295: {  	s30 =	rddreg [dreg:$0x15];
	v35 =	vld.idx.msk [tilespmem:v32+s14+$0x0], $0xffff;
	[tilespmem:s21+$0x320] =	vst v11  }
0x296: {  	v34 =	vadd.s32 s30, v0;
	s2 =	rddreg [dreg:$0x18];
	[tilespmem:s21+$0x1A0] =	vst v13;
	v6 =	vld.idx.msk [tilespmem:v6+s14+$0x0], $0xffff  }
0x297: {  	v36 =	vadd.s32 s2, v0;
	s4 =	rddreg [dreg:$0x10];
	[tilespmem:s21+$0x220] =	vst v2  }
0x298: {  	v12 =	vld.idx.msk [tilespmem:v12+s14+$0x0], $0xffff;
	v37 =	vadd.s32 s4, v0;
	s9 =	rddreg [dreg:$0xe];
	[tilespmem:s21+$0xA0] =	vst v33  }
0x299: {  	v38 =	vld.idx.msk [tilespmem:v5+s14+$0x0], $0xffff;
	v2 =	vadd.s32 s9, v0;
	s10 =	rddreg [dreg:$0x8];
	[tilespmem:s16+$0x70] =	vst v3  }
0x29a: {  	v39 =	vadd.s32 s10, v0;
	v3 =	vld.idx.msk [tilespmem:v9+s14+$0x0], $0xffff;
	[tilespmem:s21+$0x130] =	vst v35  }
0x29b: {  	v40 =	vadd.s32 s31, v0;
	v7 =	vld.idx.msk [tilespmem:v34+s14+$0x0], $0xffff;
	s16 =	rddreg [dreg:$0xb];
	[tilespmem:s21+$0x330] =	vst v6  }
0x29c: {  	v41 =	vadd.s32 s16, v0;
	v10 =	vld.idx.msk [tilespmem:v36+s14+$0x0], $0xffff;
	s20 =	rddreg [dreg:$0x1a]  }
0x29d: {  	[tilespmem:s21+$0x1B0] =	vst v12;
	v42 =	vadd.s32 s20, v0;
	v11 =	vld.idx.msk [tilespmem:v37+s14+$0x0], $0xffff  }
0x29e: {  	v47 =	vadd.s32 s24, v0;
	s22 =	rddreg [dreg:$0xc];
	[tilespmem:s21+$0x230] =	vst v38;
	v2 =	vld.idx.msk [tilespmem:v2+s14+$0x0], $0xffff  }
0x29f: {  	v44 =	vadd.s32 s23, v0;
	[tilespmem:s21+$0xB0] =	vst v3;
	v3 =	vld.idx.msk [tilespmem:v39+s14+$0x0], $0xffff  }
0x2a0: {  	v43 =	vadd.s32 s22, v0;
	v9 =	vld.idx.msk [tilespmem:v40+s14+$0x0], $0xffff;
	[tilespmem:s21+$0x2C0] =	vst v7  }
0x2a1: {  	v45 =	vadd.s32 s28, v0;
	s23 =	rddreg [dreg:$0x12];
	[tilespmem:s21+$0x140] =	vst v10;
	v8 =	vld.idx.msk [tilespmem:v41+s14+$0x0], $0xffff  }
0x2a2: {  	v46 =	vadd.s32 s23, v0;
	[tilespmem:s21+$0x340] =	vst v11;
	v6 =	vld.idx.msk [tilespmem:v42+s14+$0x0], $0xffff  }
0x2a3: {  	v10 =	vld.idx.msk [tilespmem:v47+s14+$0x0], $0xffff;
	s24 =	rddreg [dreg:$0x16];
	[tilespmem:s21+$0x1C0] =	vst v2;
	v2 =	vadd.s32 s17, v0  }
0x2a4: {  	v52 =	vadd.s32 s3, v0;
	[tilespmem:s21+$0x240] =	vst v3;
	v3 =	vld.idx.msk [tilespmem:v44+s14+$0x0], $0xffff  }
0x2a5: {  	v12 =	vld.idx.msk [tilespmem:v43+s14+$0x0], $0xffff;
	v48 =	vadd.s32 s24, v0;
	[tilespmem:s21+$0xC0] =	vst v9  }
0x2a6: {  	v49 =	vadd.s32 s15, v0;
	v5 =	vld.idx.msk [tilespmem:v45+s14+$0x0], $0xffff;
	[tilespmem:s21+$0x2D0] =	vst v8  }
0x2a7: {  	v50 =	vadd.s32 s12, v0;
	v7 =	vld.idx.msk [tilespmem:v46+s14+$0x0], $0xffff;
	[tilespmem:s21+$0x3C0] =	vst v6  }
0x2a8: {  	v51 =	vadd.s32 s13, v0;
	[tilespmem:s21+$0x150] =	vst v10;
	v2 =	vld.idx.msk [tilespmem:v2+s14+$0x0], $0xffff  }
0x2a9: {  	v6 =	vld.idx.msk [tilespmem:v52+s14+$0x0], $0xffff;
	[tilespmem:s21+$0x1D0] =	vst v3;
	v3 =	vadd.s32 s5, v0  }
0x2aa: {  	v54 =	vadd.s32 s7, v0;
	[tilespmem:s21+$0x350] =	vst v12;
	v11 =	vld.idx.msk [tilespmem:v48+s14+$0x0], $0xffff  }
0x2ab: {  	v57 =	vadd.s32 s19, v0;
	v4 =	vld.idx.msk [tilespmem:v49+s14+$0x0], $0xffff;
	[tilespmem:s21+$0x250] =	vst v5  }
0x2ac: {  	v53 =	vadd.s32 s8, v0;
	v9 =	vld.idx.msk [tilespmem:v50+s14+$0x0], $0xffff;
	[tilespmem:s21+$0xD0] =	vst v7  }
0x2ad: {  	v55 =	vadd.s32 s0, v0;
	v8 =	vld.idx.msk [tilespmem:v51+s14+$0x0], $0xffff;
	s25 =	rddreg [dreg:$0x6];
	[tilespmem:s21+$0x2E0] =	vst v2  }
0x2ae: {  	[tilespmem:s21+$0x160] =	vst v6;
	v56 =	vadd.s32 s25, v0;
	v3 =	vld.idx.msk [tilespmem:v3+s14+$0x0], $0xffff  }
0x2af: {  	[tilespmem:s21+$0x3D0] =	vst v11;
	v5 =	vld.idx.msk [tilespmem:v54+s14+$0x0], $0xffff  }
0x2b0: {  	v59 =	vadd.s32 s18, v0;
	[tilespmem:s21+$0x360] =	vst v4;
	v62 =	vld.idx.msk [tilespmem:v57+s14+$0x0], $0xffff  }
0x2b1: {  	v60 =	vadd.s32 s11, v0;
	v2 =	vld.idx.msk [tilespmem:v53+s14+$0x0], $0xffff;
	[tilespmem:s21+$0x1E0] =	vst v9  }
0x2b2: {  	v58 =	vadd.s32 s6, v0;
	v7 =	vld.idx.msk [tilespmem:v55+s14+$0x0], $0xffff;
	[tilespmem:s21+$0xE0] =	vst v8  }
0x2b3: {  	v61 =	vld.idx.msk [tilespmem:v56+s14+$0x0], $0xffff;
	[tilespmem:s21+$0x260] =	vst v3  }
0x2b4: {  	[tilespmem:s21+$0x2F0] =	vst v5  }
0x2b5: {  	v3 =	vld.idx.msk [tilespmem:v59+s14+$0x0], $0xffff;
	[tilespmem:s21+$0x170] =	vst v62  }
0x2b6: {  	[tilespmem:s21+$0x3E0] =	vst v2;
	v63 =	vld.idx.msk [tilespmem:v60+s14+$0x0], $0xffff  }
0x2b7: {  	v2 =	vld.idx.msk [tilespmem:v58+s14+$0x0], $0xffff;
	[tilespmem:s21+$0x1F0] =	vst v7  }
0x2b8: {  	[tilespmem:s21+$0x370] =	vst v61  }
0x2b9: {  	s26 =	sld [smem:$0x7F9]  }
0x2ba: {  	s28 =	sld [smem:$0x7D6];
	[tilespmem:s21+$0xF0] =	vst v3  }
0x2bb: {  	[tilespmem:s21+$0x270] =	vst v63  }
0x2bc: {  	[tilespmem:s21+$0x3F0] =	vst v2  }
0x2bd: {  	s4 =	sld [smem:$0x7D7];
	_ =	sdelay $0x2  }
0x2be: {  	p0 =	sne.s32 s4, $0x80  }
.Ltmp4:
0x2bf: {  	s0 =	sadd.s32 s26, s28;
	(pc) =	sbr.rel @p0 .LBB2_6-.Ltmp4, $4  }
0x2c0: {  	s0 =	sshll.u32 s0, $0xC  }
0x2c1: {  	s31 =	simm.s32 $0x10400;
	s29 =	rddreg [dreg:$0x1];
	s0 =	sand.u32 $0x1FFFF000, s0  }
0x2c2: {  	s3 =	simm.s32 $0x1;
	s30 =	simm.s32 $0x0;
	s0 =	sadd.s32 s29, s0  }
0x2c3: {  	[hbm4b:s0+s30] =	stream.linear.scatter [tilespmem:s31], [sflag:$0x2], $0x8000, $0x38;
	[tilespmem:$0x18400] =	vst v63  }
0x2c4: {  	_ =	swait.ge [sflag:s3], $0x8000  }
0x2c5: {  	[sflag:s3] =	ssyncset.done $0x0  }
0x2c6: {  	s1 =	simm.s32 $0x2;
	[sflag:s3] =	ssyncadd.s32 $0xFFFF8000  }
0x2c7: {  	_ =	swait.ge [sflag:s1], $0x8000  }
0x2c8: {  	s2 =	sld [smem:$0x7F6]  }
0x2c9: {  	s0 =	sld [smem:$0x7FD];
	_ =	sdelay $0x1  }
0x2ca: {  	s2 =	sadd.s32 $0x1, s2  }
0x2cb: {  	p0 =	sne.s32 s2, s0  }
.Ltmp5:
0x2cc: {  	_ = 	snop;
	(pc) =	sbr.rel @p0 .LBB2_1-.Ltmp5, $3  }
0x2cd: {  	_ =	sdelay $0x1  }
0x2ce: {  	[sflag:s1] =	ssyncset.done $0x0  }
0x2cf: {  	[sflag:s1] =	ssyncadd.s32 $0xFFFF8000  }
0x2d0: {  	_ =	sfence.sel $0x180000  }
0x2d1: {  	[bflag:$0x0] =	sbarrier.arrive $0xFFFF  }
0x2d2: {  	_ =	strace $0x90000047  }
0x2d3: {  	s0 =	stileid.u32;
	[bflag:$0x2] =	sbarrier.arrive $0xFFFF  }
0x2d4: {  	p0 =	sne.s32 s0, $0x0;
	s0 =	rddreg [dreg:$0x2]  }
0x2d5: {  	s0 =	sadd.s32 @!p0 $0x100000, s0  }
0x2d6: {  	[sflag:s0] =	ssyncadd.tile.s32 @!p0 $0x1;
	_ =	shalt  }
.Lfunc_end2:
_tile_overlayer_lowered:
.L_overlay_start_2:
0x2d7: {  	(tag) =	ssettag $0x2  }
0x2d8: {  	s0 =	rddreg [dreg:$0x0];
	s2 =	stileid.u32  }
0x2d9: {  	s1 =	rddreg [dreg:$0x1];
	p0 =	sne.s32 s2, $0x0  }
0x2da: {  	s3 =	rddreg [dreg:$0x2];
	[bflag:$0x3] =	sbarrier.arrive $0xFFFF;
	s2 =	simm.s32 @!p0 $0x1C03  }
0x2db: {  	[timem:s3], [sflag:s2] =	dma.local @!p0 [hbm:s0], s1  }
0x2dc: {  	s0 =	simm.s32 @!p0 $0x3  }
0x2dd: {  	_ =	swait.ge @!p0 [sflag:s0], s1  }
0x2de: {  	s1 =	ssub.s32 @!p0 $0x0, s1;
	[sflag:s0] =	ssyncset.done @!p0 $0x0  }
0x2df: {  	[sflag:s0] =	ssyncadd.s32 @!p0 s1  }
0x2e0: {  	[bflag:$0x3] =	sbarrier.arrive $0xFFFF  }
0x2e1: {  	_ =	shalt  }

</sc_bundles>
